<compile_context>
chip_gen: v7x
topology: tpu7x:2x2x1
jax: 0.10.2.dev20260603
libtpu: 0.0.44.dev20260713+nightly
codegen_flags: <defaults>
</compile_context>

<pallas_src>
import functools

import jax
import jax.numpy as jnp
from jax import lax
from jax.experimental import pallas as pl
from jax.experimental.pallas import tpu as pltpu
from jax.experimental.pallas import tpu_sc as plsc

_DECAY = 0.95
_THRESH = 0.0001
_C = 4
_G = 2097152
_N = 524288
_CH = 16384
_NPAIR = _N // (2 * _CH)
_FB = 16384
_PER_CORE = 2 * _G
_FPT = _PER_CORE // 16
_FROUNDS = _FPT // _FB

@functools.cache
def _sc_scatter_fn():
    mesh = plsc.VectorSubcoreMesh(core_axis_name="c", subcore_axis_name="s")
    return pl.kernel(
        _sc_scatter_body,
        mesh=mesh,
        out_type=jax.ShapeDtypeStruct((_C * _G,), jnp.float32),
        scratch_types=[
            pltpu.VMEM((_FB,), jnp.float32),
            pltpu.VMEM((_CH,), jnp.int32),
            pltpu.VMEM((_CH,), jnp.int32),
            pltpu.VMEM((_CH,), jnp.float32),
            pltpu.VMEM((_CH,), jnp.float32),
            pltpu.SemaphoreType.DMA,
            pltpu.SemaphoreType.DMA,
            pltpu.SemaphoreType.DMA,
            pltpu.SemaphoreType.DMA,
            pltpu.SemaphoreType.DMA,
        ],
    )


def _sc_scatter_body(idx_hbm, dens_hbm, tmp_hbm,
                     fbuf, idx_a, idx_b, den_a, den_b,
                     sia, sib, sda, sdb, ss):
    core = lax.axis_index("c")
    sub = lax.axis_index("s")

    def fill_vreg(i, c2):
        fbuf[pl.ds(i * 16, 16)] = jnp.full((16,), -1.0, jnp.float32)
        return c2

    lax.fori_loop(0, _FB // 16, fill_vreg, 0, unroll=8)
    base = core * _PER_CORE + sub * _FPT

    def fill_round(r, c2):
        pltpu.async_copy(fbuf, tmp_hbm.at[pl.ds(base + r * _FB, _FB)], ss)
        return c2

    lax.fori_loop(0, _FROUNDS, fill_round, 0)

    def fill_drain(r, c2):
        pltpu.make_async_copy(
            fbuf, tmp_hbm.at[pl.ds(base + r * _FB, _FB)], ss).wait()
        return c2

    lax.fori_loop(0, _FROUNDS, fill_drain, 0)

    plsc.subcore_barrier()

    @pl.when(sub < 2)
    def _():
        casc = core * 2 + sub
        goff = casc * _G
        soff = casc * _N

        def ld(buf_i, buf_d, chunk, si, sd):
            s0 = soff + chunk * _CH
            pltpu.async_copy(idx_hbm.at[pl.ds(s0, _CH)], buf_i, si)
            pltpu.async_copy(dens_hbm.at[pl.ds(s0, _CH)], buf_d, sd)

        def ld_wait(buf_i, buf_d, chunk, si, sd):
            s0 = soff + chunk * _CH
            pltpu.make_async_copy(idx_hbm.at[pl.ds(s0, _CH)], buf_i, si).wait()
            pltpu.make_async_copy(dens_hbm.at[pl.ds(s0, _CH)], buf_d, sd).wait()

        def offs(buf_i):
            def go(i, c2):
                sl = pl.ds(i * 16, 16)
                buf_i[sl] = buf_i[sl] + goff
                return c2
            lax.fori_loop(0, _CH // 16, go, 0, unroll=8)

        ld(idx_a, den_a, 0, sia, sda)

        def pair(kk, c2):
            e = 2 * kk
            o = e + 1
            ld_wait(idx_a, den_a, e, sia, sda)
            offs(idx_a)

            @pl.when(kk > 0)
            def _():
                pltpu.make_async_copy(den_b, tmp_hbm.at[idx_b], ss).wait()

            ld(idx_b, den_b, o, sib, sdb)
            pltpu.async_copy(den_a, tmp_hbm.at[idx_a], ss)
            ld_wait(idx_b, den_b, o, sib, sdb)
            offs(idx_b)
            pltpu.make_async_copy(den_a, tmp_hbm.at[idx_a], ss).wait()

            @pl.when(kk < _NPAIR - 1)
            def _():
                ld(idx_a, den_a, e + 2, sia, sda)

            pltpu.async_copy(den_b, tmp_hbm.at[idx_b], ss)
            return c2

        lax.fori_loop(0, _NPAIR, pair, 0)
        pltpu.make_async_copy(den_b, tmp_hbm.at[idx_b], ss).wait()


def _merge_body(grid_ref, tmp_ref, out_ref, sum_ref, cnt_ref):
    @pl.when(pl.program_id(0) == 0)
    def _():
        sum_ref[0, 0] = jnp.float32(0.0)
        cnt_ref[0, 0] = jnp.float32(0.0)

    g = grid_ref[...]
    t = tmp_ref[...]
    ng = jnp.where((g >= 0) & (t >= 0), jnp.maximum(g * _DECAY, t), g)
    out_ref[...] = ng
    pos = ng > 0
    sum_ref[0, 0] += jnp.sum(jnp.where(pos, ng, 0.0))
    cnt_ref[0, 0] += jnp.sum(pos.astype(jnp.float32))


def _bitfield_body(thr_ref, x_ref, out_ref):
    thr = thr_ref[0, 0]
    bits = (x_ref[...] > thr).astype(jnp.float32)
    row = lax.broadcasted_iota(jnp.int32, (1024, 128), 0)
    col = lax.broadcasted_iota(jnp.int32, (1024, 128), 1)
    w = jnp.where(row // 8 == col,
                  (1 << (row % 8)), 0).astype(jnp.float32)
    byte = jax.lax.dot(bits, w, preferred_element_type=jnp.float32)
    out_ref[...] = byte.astype(jnp.int32).astype(jnp.uint8)


def kernel(density_grid, indices, densities):
    idx_flat = indices.reshape(-1)
    dens_flat = densities.reshape(-1)

    tmp_flat = _sc_scatter_fn()(idx_flat, dens_flat)

    g2 = density_grid.reshape(8192, 1024)
    t2 = tmp_flat.reshape(8192, 1024)
    new2, s, c = pl.pallas_call(
        _merge_body,
        out_shape=(jax.ShapeDtypeStruct((8192, 1024), jnp.float32),
                   jax.ShapeDtypeStruct((1, 1), jnp.float32),
                   jax.ShapeDtypeStruct((1, 1), jnp.float32)),
        grid=(16,),
        in_specs=[pl.BlockSpec((512, 1024), lambda i: (i, 0)),
                  pl.BlockSpec((512, 1024), lambda i: (i, 0))],
        out_specs=(pl.BlockSpec((512, 1024), lambda i: (i, 0)),
                   pl.BlockSpec(memory_space=pltpu.SMEM),
                   pl.BlockSpec(memory_space=pltpu.SMEM)),
    )(g2, t2)
    mean_density = (s[0, 0] / jnp.maximum(c[0, 0], 1.0)).astype(jnp.float32)
    thr = jnp.minimum(mean_density, jnp.float32(_THRESH)).reshape(1, 1)

    bitfield = pl.pallas_call(
        _bitfield_body,
        out_shape=jax.ShapeDtypeStruct((8192, 128), jnp.uint8),
        grid=(16,),
        in_specs=[
            pl.BlockSpec(memory_space=pltpu.SMEM),
            pl.BlockSpec((512, 1024), lambda i: (i, 0)),
        ],
        out_specs=pl.BlockSpec((512, 128), lambda i: (i, 0)),
    )(thr, new2)

    return (new2.reshape(_C, _G),
            bitfield.reshape(-1),
            mean_density)

# --- scband reference (transcript-rebuilt; emitter-appended) ---
"""Pipeline reference for scband-density-grid-39917426049684 (READ-ONLY COPY).

The authoritative reference and input builder live on the scoring server;
editing this copy changes nothing except your own understanding.
"""

import jax, jax.numpy as jnp
import numpy as np

NUM_CASCADES = 4
RESOLUTION = 128
GRID_SIZE = RESOLUTION ** 3  # 2097152
N_SAMPLES = GRID_SIZE // 4   # 524288
DECAY = 0.95
DENSITY_THRESHOLD = 1e-4


def setup_inputs(seed: int = 0) -> dict:
    key = jax.random.key(seed)
    k1, k2, k3 = jax.random.split(key, 3)
    density_grid = jax.random.uniform(k1, (NUM_CASCADES, GRID_SIZE), dtype=jnp.float32)
    indices = jax.random.randint(k2, (NUM_CASCADES, N_SAMPLES), 0, GRID_SIZE, dtype=jnp.int32)
    densities = jax.random.uniform(k3, (NUM_CASCADES, N_SAMPLES), dtype=jnp.float32)
    return {"density_grid": density_grid, "indices": indices, "densities": densities}


def reference(density_grid, indices, densities):
    # Faithful jax translation of DensityGrid.update_density_grid's grid-update core.
    # densities plays the role of density_eval_func(x).squeeze(-1) evaluated at the
    # sampled cells; indices are the (morton) cell indices per cascade.
    # 1) scatter-overwrite sampled densities into a tmp grid initialized to -1
    tmp_grid = -jnp.ones_like(density_grid)
    cascade_ids = jnp.broadcast_to(jnp.arange(NUM_CASCADES, dtype=indices.dtype)[:, None], indices.shape)
    tmp_grid = tmp_grid.at[cascade_ids, indices].set(densities)
    # 2) EMA-max update on valid cells
    valid_mask = (density_grid >= 0) & (tmp_grid >= 0)
    new_grid = jnp.where(valid_mask, jnp.maximum(density_grid * DECAY, tmp_grid), density_grid)
    # 3) mean density over occupied cells
    pos = new_grid > 0
    count = jnp.maximum(jnp.sum(pos.astype(jnp.float32)), 1.0)
    mean_density = jnp.sum(jnp.where(pos, new_grid, 0.0)) / count
    # 4) packbits(density_grid, min(mean_density, density_threshold)) -> uint8 bitfield
    thr = jnp.minimum(mean_density, DENSITY_THRESHOLD)
    occ = (new_grid.reshape(-1, 8) > thr).astype(jnp.int32)
    weights = (2 ** jnp.arange(8, dtype=jnp.int32))
    density_bitfield = jnp.sum(occ * weights, axis=-1).astype(jnp.uint8)
    return new_grid, density_bitfield, mean_density

if __name__ == "__main__":
    import jax
    _d = setup_inputs()
    print(jax.jit(kernel)(*tuple(_d.values())))

</pallas_src>

<mosaic_0001>
#map = affine_map<(d0, d1) -> (0)>
module attributes {stable_mosaic.version = 14 : i64} {
  func.func @_sc_scatter_body(%arg0: i32, %arg1: i32, %arg2: memref<2097152xi32, #tpu.memory_space<hbm>>, %arg3: memref<2097152xf32, #tpu.memory_space<hbm>>, %arg4: memref<8388608xf32, #tpu.memory_space<hbm>>, %arg5: memref<16384xf32, #tpu.memory_space<vmem>>, %arg6: memref<16384xi32, #tpu.memory_space<vmem>>, %arg7: memref<16384xi32, #tpu.memory_space<vmem>>, %arg8: memref<16384xf32, #tpu.memory_space<vmem>>, %arg9: memref<16384xf32, #tpu.memory_space<vmem>>, %arg10: memref<!tpu.dma_semaphore, #tpu.memory_space<semaphore_mem>>, %arg11: memref<!tpu.dma_semaphore, #tpu.memory_space<semaphore_mem>>, %arg12: memref<!tpu.dma_semaphore, #tpu.memory_space<semaphore_mem>>, %arg13: memref<!tpu.dma_semaphore, #tpu.memory_space<semaphore_mem>>, %arg14: memref<!tpu.dma_semaphore, #tpu.memory_space<semaphore_mem>>) attributes {dimension_semantics = [#tpu.dimension_semantics<core_parallel>, #tpu.dimension_semantics<subcore_parallel>], iteration_bounds = array<i64: 2, 16>, scalar_prefetch = 0 : i64, scratch_operands = 10 : i64, tpu.core_type = #tpu.core_type<sc_vector_subcore>, window_params = [{transform_indices = #map}, {transform_indices = #map}, {transform_indices = #map}]} {
    %scan3A = arith.constant 0 : i32
    %scan3A_0 = arith.constant 0 : i32
    %scan3A_1 = arith.constant 1024 : i32
    %scan3A_2 = arith.addi %scan3A_0, %scan3A_1 : i32
    %scan3A_3 = arith.constant 8 : i32
    scf.for %scan3A_22 = %scan3A_0 to %scan3A_2 step %scan3A_3  : i32 {
      %broadcast_in_dim3A = arith.constant -1.000000e+00 : f32
      %broadcast_in_dim3A_23 = vector.broadcast %broadcast_in_dim3A : f32 to vector<16xf32>
      %mul3A_24 = arith.constant 16 : i32
      %mul3A_25 = arith.muli %scan3A_22, %mul3A_24 : i32
      %swap3A = arith.index_cast %mul3A_25 : i32 to index
      %swap3A_26 = tpu.vector_load %arg5[%swap3A] {strides = array<i32>} : memref<16384xf32, #tpu.memory_space<vmem>>, vector<16xf32>,
      %swap3A_27 = vector.shape_cast %swap3A_26 : vector<16xf32> to vector<16xf32>
      %swap3A_28 = vector.shape_cast %broadcast_in_dim3A_23 : vector<16xf32> to vector<16xf32>
      tpu.vector_store %arg5[%swap3A], %swap3A_28 {strides = array<i32>} : memref<16384xf32, #tpu.memory_space<vmem>>, vector<16xf32>,
      %scan3A_29 = arith.constant 1 : i32
      %scan3A_30 = arith.addi %scan3A_22, %scan3A_29 : i32
      %broadcast_in_dim3A_31 = arith.constant -1.000000e+00 : f32
      %broadcast_in_dim3A_32 = vector.broadcast %broadcast_in_dim3A_31 : f32 to vector<16xf32>
      %mul3A_33 = arith.constant 16 : i32
      %mul3A_34 = arith.muli %scan3A_30, %mul3A_33 : i32
      %swap3A_35 = arith.index_cast %mul3A_34 : i32 to index
      %swap3A_36 = tpu.vector_load %arg5[%swap3A_35] {strides = array<i32>} : memref<16384xf32, #tpu.memory_space<vmem>>, vector<16xf32>,
      %swap3A_37 = vector.shape_cast %swap3A_36 : vector<16xf32> to vector<16xf32>
      %swap3A_38 = vector.shape_cast %broadcast_in_dim3A_32 : vector<16xf32> to vector<16xf32>
      tpu.vector_store %arg5[%swap3A_35], %swap3A_38 {strides = array<i32>} : memref<16384xf32, #tpu.memory_space<vmem>>, vector<16xf32>,
      %scan3A_39 = arith.constant 2 : i32
      %scan3A_40 = arith.addi %scan3A_22, %scan3A_39 : i32
      %broadcast_in_dim3A_41 = arith.constant -1.000000e+00 : f32
      %broadcast_in_dim3A_42 = vector.broadcast %broadcast_in_dim3A_41 : f32 to vector<16xf32>
      %mul3A_43 = arith.constant 16 : i32
      %mul3A_44 = arith.muli %scan3A_40, %mul3A_43 : i32
      %swap3A_45 = arith.index_cast %mul3A_44 : i32 to index
      %swap3A_46 = tpu.vector_load %arg5[%swap3A_45] {strides = array<i32>} : memref<16384xf32, #tpu.memory_space<vmem>>, vector<16xf32>,
      %swap3A_47 = vector.shape_cast %swap3A_46 : vector<16xf32> to vector<16xf32>
      %swap3A_48 = vector.shape_cast %broadcast_in_dim3A_42 : vector<16xf32> to vector<16xf32>
      tpu.vector_store %arg5[%swap3A_45], %swap3A_48 {strides = array<i32>} : memref<16384xf32, #tpu.memory_space<vmem>>, vector<16xf32>,
      %scan3A_49 = arith.constant 3 : i32
      %scan3A_50 = arith.addi %scan3A_22, %scan3A_49 : i32
      %broadcast_in_dim3A_51 = arith.constant -1.000000e+00 : f32
      %broadcast_in_dim3A_52 = vector.broadcast %broadcast_in_dim3A_51 : f32 to vector<16xf32>
      %mul3A_53 = arith.constant 16 : i32
      %mul3A_54 = arith.muli %scan3A_50, %mul3A_53 : i32
      %swap3A_55 = arith.index_cast %mul3A_54 : i32 to index
      %swap3A_56 = tpu.vector_load %arg5[%swap3A_55] {strides = array<i32>} : memref<16384xf32, #tpu.memory_space<vmem>>, vector<16xf32>,
      %swap3A_57 = vector.shape_cast %swap3A_56 : vector<16xf32> to vector<16xf32>
      %swap3A_58 = vector.shape_cast %broadcast_in_dim3A_52 : vector<16xf32> to vector<16xf32>
      tpu.vector_store %arg5[%swap3A_55], %swap3A_58 {strides = array<i32>} : memref<16384xf32, #tpu.memory_space<vmem>>, vector<16xf32>,
      %scan3A_59 = arith.constant 4 : i32
      %scan3A_60 = arith.addi %scan3A_22, %scan3A_59 : i32
      %broadcast_in_dim3A_61 = arith.constant -1.000000e+00 : f32
      %broadcast_in_dim3A_62 = vector.broadcast %broadcast_in_dim3A_61 : f32 to vector<16xf32>
      %mul3A_63 = arith.constant 16 : i32
      %mul3A_64 = arith.muli %scan3A_60, %mul3A_63 : i32
      %swap3A_65 = arith.index_cast %mul3A_64 : i32 to index
      %swap3A_66 = tpu.vector_load %arg5[%swap3A_65] {strides = array<i32>} : memref<16384xf32, #tpu.memory_space<vmem>>, vector<16xf32>,
      %swap3A_67 = vector.shape_cast %swap3A_66 : vector<16xf32> to vector<16xf32>
      %swap3A_68 = vector.shape_cast %broadcast_in_dim3A_62 : vector<16xf32> to vector<16xf32>
      tpu.vector_store %arg5[%swap3A_65], %swap3A_68 {strides = array<i32>} : memref<16384xf32, #tpu.memory_space<vmem>>, vector<16xf32>,
      %scan3A_69 = arith.constant 5 : i32
      %scan3A_70 = arith.addi %scan3A_22, %scan3A_69 : i32
      %broadcast_in_dim3A_71 = arith.constant -1.000000e+00 : f32
      %broadcast_in_dim3A_72 = vector.broadcast %broadcast_in_dim3A_71 : f32 to vector<16xf32>
      %mul3A_73 = arith.constant 16 : i32
      %mul3A_74 = arith.muli %scan3A_70, %mul3A_73 : i32
      %swap3A_75 = arith.index_cast %mul3A_74 : i32 to index
      %swap3A_76 = tpu.vector_load %arg5[%swap3A_75] {strides = array<i32>} : memref<16384xf32, #tpu.memory_space<vmem>>, vector<16xf32>,
      %swap3A_77 = vector.shape_cast %swap3A_76 : vector<16xf32> to vector<16xf32>
      %swap3A_78 = vector.shape_cast %broadcast_in_dim3A_72 : vector<16xf32> to vector<16xf32>
      tpu.vector_store %arg5[%swap3A_75], %swap3A_78 {strides = array<i32>} : memref<16384xf32, #tpu.memory_space<vmem>>, vector<16xf32>,
      %scan3A_79 = arith.constant 6 : i32
      %scan3A_80 = arith.addi %scan3A_22, %scan3A_79 : i32
      %broadcast_in_dim3A_81 = arith.constant -1.000000e+00 : f32
      %broadcast_in_dim3A_82 = vector.broadcast %broadcast_in_dim3A_81 : f32 to vector<16xf32>
      %mul3A_83 = arith.constant 16 : i32
      %mul3A_84 = arith.muli %scan3A_80, %mul3A_83 : i32
      %swap3A_85 = arith.index_cast %mul3A_84 : i32 to index
      %swap3A_86 = tpu.vector_load %arg5[%swap3A_85] {strides = array<i32>} : memref<16384xf32, #tpu.memory_space<vmem>>, vector<16xf32>,
      %swap3A_87 = vector.shape_cast %swap3A_86 : vector<16xf32> to vector<16xf32>
      %swap3A_88 = vector.shape_cast %broadcast_in_dim3A_82 : vector<16xf32> to vector<16xf32>
      tpu.vector_store %arg5[%swap3A_85], %swap3A_88 {strides = array<i32>} : memref<16384xf32, #tpu.memory_space<vmem>>, vector<16xf32>,
      %scan3A_89 = arith.constant 7 : i32
      %scan3A_90 = arith.addi %scan3A_22, %scan3A_89 : i32
      %broadcast_in_dim3A_91 = arith.constant -1.000000e+00 : f32
      %broadcast_in_dim3A_92 = vector.broadcast %broadcast_in_dim3A_91 : f32 to vector<16xf32>
      %mul3A_93 = arith.constant 16 : i32
      %mul3A_94 = arith.muli %scan3A_90, %mul3A_93 : i32
      %swap3A_95 = arith.index_cast %mul3A_94 : i32 to index
      %swap3A_96 = tpu.vector_load %arg5[%swap3A_95] {strides = array<i32>} : memref<16384xf32, #tpu.memory_space<vmem>>, vector<16xf32>,
      %swap3A_97 = vector.shape_cast %swap3A_96 : vector<16xf32> to vector<16xf32>
      %swap3A_98 = vector.shape_cast %broadcast_in_dim3A_92 : vector<16xf32> to vector<16xf32>
      tpu.vector_store %arg5[%swap3A_95], %swap3A_98 {strides = array<i32>} : memref<16384xf32, #tpu.memory_space<vmem>>, vector<16xf32>,
    }
    %scan3A_4 = arith.constant 1024 : i32
    %mul3A = arith.constant 4194304 : i32
    %mul3A_5 = arith.muli %arg0, %mul3A : i32
    %mul3A_6 = arith.constant 262144 : i32
    %mul3A_7 = arith.muli %arg1, %mul3A_6 : i32
    %add3A = arith.addi %mul3A_5, %mul3A_7 : i32
    %scan3A_8 = arith.constant 0 : i32
    %scan3A_9 = arith.constant 0 : i32
    %scan3A_10 = arith.constant 16 : i32
    %scan3A_11 = arith.addi %scan3A_9, %scan3A_10 : i32
    %scan3A_12 = arith.constant 1 : i32
    scf.for %scan3A_22 = %scan3A_9 to %scan3A_11 step %scan3A_12  : i32 {
      %mul3A_23 = arith.constant 16384 : i32
      %mul3A_24 = arith.muli %scan3A_22, %mul3A_23 : i32
      %add3A_25 = arith.addi %add3A, %mul3A_24 : i32
      %dma_start3A = tpu.memref_slice %arg4[%add3A_25] : memref<8388608xf32, #tpu.memory_space<hbm>> -> memref<16384xf32, #tpu.memory_space<hbm>>
      %dma_start3A_26 = tpu.memref_slice %arg4[%add3A_25] : memref<8388608xf32, #tpu.memory_space<hbm>> -> memref<16384xf32, #tpu.memory_space<hbm>>
      tpu.enqueue_dma source(%arg5 : memref<16384xf32, #tpu.memory_space<vmem>>) target(%dma_start3A_26 : memref<16384xf32, #tpu.memory_space<hbm>>) target_semaphore(%arg14 : memref<!tpu.dma_semaphore, #tpu.memory_space<semaphore_mem>>)
    }
    %scan3A_13 = arith.constant 16 : i32
    %scan3A_14 = arith.constant 0 : i32
    %scan3A_15 = arith.constant 0 : i32
    %scan3A_16 = arith.constant 16 : i32
    %scan3A_17 = arith.addi %scan3A_15, %scan3A_16 : i32
    %scan3A_18 = arith.constant 1 : i32
    scf.for %scan3A_22 = %scan3A_15 to %scan3A_17 step %scan3A_18  : i32 {
      %mul3A_23 = arith.constant 16384 : i32
      %mul3A_24 = arith.muli %scan3A_22, %mul3A_23 : i32
      %add3A_25 = arith.addi %add3A, %mul3A_24 : i32
      %dma_wait3A = tpu.memref_slice %arg4[%add3A_25] : memref<8388608xf32, #tpu.memory_space<hbm>> -> memref<16384xf32, #tpu.memory_space<hbm>>
      %dma_wait3A_26 = tpu.memref_slice %arg4[%add3A_25] : memref<8388608xf32, #tpu.memory_space<hbm>> -> memref<16384xf32, #tpu.memory_space<hbm>>
      tpu.wait_dma2 semaphore(%arg14 : memref<!tpu.dma_semaphore, #tpu.memory_space<semaphore_mem>>) src(%arg5 : memref<16384xf32, #tpu.memory_space<vmem>>) dst(%dma_wait3A_26 : memref<16384xf32, #tpu.memory_space<hbm>>)
    }
    %scan3A_19 = arith.constant 16 : i32
    %barrier3A = arith.constant 0 : index
    tpu.barrier barrier_id(%barrier3A)
    %lt3A = arith.constant 2 : i32
    %lt3A_20 = arith.cmpi slt, %arg1, %lt3A : i32
    %convert_element_type3A = arith.extui %lt3A_20 : i1 to i32
    %cond3A = arith.constant 0 : i32
    %cond3A_21 = arith.cmpi ne, %convert_element_type3A, %cond3A : i32
    scf.if %cond3A_21 {
      %mul3A_22 = arith.constant 2 : i32
      %mul3A_23 = arith.muli %arg0, %mul3A_22 : i32
      %add3A_24 = arith.addi %mul3A_23, %arg1 : i32
      %mul3A_25 = arith.constant 2097152 : i32
      %mul3A_26 = arith.muli %add3A_24, %mul3A_25 : i32
      %mul3A_27 = arith.constant 524288 : i32
      %mul3A_28 = arith.muli %add3A_24, %mul3A_27 : i32
      %add3A_29 = arith.constant 0 : i32
      %add3A_30 = arith.addi %mul3A_28, %add3A_29 : i32
      %dma_start3A = tpu.memref_slice %arg2[%add3A_30] : memref<2097152xi32, #tpu.memory_space<hbm>> -> memref<16384xi32, #tpu.memory_space<hbm>>
      %dma_start3A_31 = tpu.memref_slice %arg2[%add3A_30] : memref<2097152xi32, #tpu.memory_space<hbm>> -> memref<16384xi32, #tpu.memory_space<hbm>>
      tpu.enqueue_dma source(%dma_start3A_31 : memref<16384xi32, #tpu.memory_space<hbm>>) target(%arg6 : memref<16384xi32, #tpu.memory_space<vmem>>) target_semaphore(%arg10 : memref<!tpu.dma_semaphore, #tpu.memory_space<semaphore_mem>>)
      %dma_start3A_32 = tpu.memref_slice %arg3[%add3A_30] : memref<2097152xf32, #tpu.memory_space<hbm>> -> memref<16384xf32, #tpu.memory_space<hbm>>
      %dma_start3A_33 = tpu.memref_slice %arg3[%add3A_30] : memref<2097152xf32, #tpu.memory_space<hbm>> -> memref<16384xf32, #tpu.memory_space<hbm>>
      tpu.enqueue_dma source(%dma_start3A_33 : memref<16384xf32, #tpu.memory_space<hbm>>) target(%arg8 : memref<16384xf32, #tpu.memory_space<vmem>>) target_semaphore(%arg12 : memref<!tpu.dma_semaphore, #tpu.memory_space<semaphore_mem>>)
      %scan3A_34 = arith.constant 0 : i32
      %scan3A_35 = arith.constant 0 : i32
      %scan3A_36 = arith.constant 16 : i32
      %scan3A_37 = arith.addi %scan3A_35, %scan3A_36 : i32
      %scan3A_38 = arith.constant 1 : i32
      scf.for %scan3A_41 = %scan3A_35 to %scan3A_37 step %scan3A_38  : i32 {
        %mul3A_42 = arith.constant 2 : i32
        %mul3A_43 = arith.muli %mul3A_42, %scan3A_41 : i32
        %add3A_44 = arith.constant 1 : i32
        %add3A_45 = arith.addi %mul3A_43, %add3A_44 : i32
        %mul3A_46 = arith.constant 16384 : i32
        %mul3A_47 = arith.muli %mul3A_43, %mul3A_46 : i32
        %add3A_48 = arith.addi %mul3A_28, %mul3A_47 : i32
        %dma_wait3A_49 = tpu.memref_slice %arg2[%add3A_48] : memref<2097152xi32, #tpu.memory_space<hbm>> -> memref<16384xi32, #tpu.memory_space<hbm>>
        %dma_wait3A_50 = tpu.memref_slice %arg2[%add3A_48] : memref<2097152xi32, #tpu.memory_space<hbm>> -> memref<16384xi32, #tpu.memory_space<hbm>>
        tpu.wait_dma2 semaphore(%arg10 : memref<!tpu.dma_semaphore, #tpu.memory_space<semaphore_mem>>) src(%dma_wait3A_50 : memref<16384xi32, #tpu.memory_space<hbm>>) dst(%arg6 : memref<16384xi32, #tpu.memory_space<vmem>>)
        %dma_wait3A_51 = tpu.memref_slice %arg3[%add3A_48] : memref<2097152xf32, #tpu.memory_space<hbm>> -> memref<16384xf32, #tpu.memory_space<hbm>>
        %dma_wait3A_52 = tpu.memref_slice %arg3[%add3A_48] : memref<2097152xf32, #tpu.memory_space<hbm>> -> memref<16384xf32, #tpu.memory_space<hbm>>
        tpu.wait_dma2 semaphore(%arg12 : memref<!tpu.dma_semaphore, #tpu.memory_space<semaphore_mem>>) src(%dma_wait3A_52 : memref<16384xf32, #tpu.memory_space<hbm>>) dst(%arg8 : memref<16384xf32, #tpu.memory_space<vmem>>)
        %scan3A_53 = arith.constant 0 : i32
        %scan3A_54 = arith.constant 0 : i32
        %scan3A_55 = arith.constant 1024 : i32
        %scan3A_56 = arith.addi %scan3A_54, %scan3A_55 : i32
        %scan3A_57 = arith.constant 8 : i32
        scf.for %scan3A_94 = %scan3A_54 to %scan3A_56 step %scan3A_57  : i32 {
          %mul3A_95 = arith.constant 16 : i32
          %mul3A_96 = arith.muli %scan3A_94, %mul3A_95 : i32
          %get3A = arith.index_cast %mul3A_96 : i32 to index
          %get3A_97 = tpu.vector_load %arg6[%get3A] {strides = array<i32>} : memref<16384xi32, #tpu.memory_space<vmem>>, vector<16xi32>,
          %get3A_98 = vector.shape_cast %get3A_97 : vector<16xi32> to vector<16xi32>
          %add3A_99 = vector.broadcast %mul3A_26 : i32 to vector<16xi32>
          %add3A_100 = arith.addi %get3A_98, %add3A_99 : vector<16xi32>
          %swap3A = arith.index_cast %mul3A_96 : i32 to index
          %swap3A_101 = tpu.vector_load %arg6[%swap3A] {strides = array<i32>} : memref<16384xi32, #tpu.memory_space<vmem>>, vector<16xi32>,
          %swap3A_102 = vector.shape_cast %swap3A_101 : vector<16xi32> to vector<16xi32>
          %swap3A_103 = vector.shape_cast %add3A_100 : vector<16xi32> to vector<16xi32>
          tpu.vector_store %arg6[%swap3A], %swap3A_103 {strides = array<i32>} : memref<16384xi32, #tpu.memory_space<vmem>>, vector<16xi32>,
          %scan3A_104 = arith.constant 1 : i32
          %scan3A_105 = arith.addi %scan3A_94, %scan3A_104 : i32
          %mul3A_106 = arith.constant 16 : i32
          %mul3A_107 = arith.muli %scan3A_105, %mul3A_106 : i32
          %get3A_108 = arith.index_cast %mul3A_107 : i32 to index
          %get3A_109 = tpu.vector_load %arg6[%get3A_108] {strides = array<i32>} : memref<16384xi32, #tpu.memory_space<vmem>>, vector<16xi32>,
          %get3A_110 = vector.shape_cast %get3A_109 : vector<16xi32> to vector<16xi32>
          %add3A_111 = vector.broadcast %mul3A_26 : i32 to vector<16xi32>
          %add3A_112 = arith.addi %get3A_110, %add3A_111 : vector<16xi32>
          %swap3A_113 = arith.index_cast %mul3A_107 : i32 to index
          %swap3A_114 = tpu.vector_load %arg6[%swap3A_113] {strides = array<i32>} : memref<16384xi32, #tpu.memory_space<vmem>>, vector<16xi32>,
          %swap3A_115 = vector.shape_cast %swap3A_114 : vector<16xi32> to vector<16xi32>
          %swap3A_116 = vector.shape_cast %add3A_112 : vector<16xi32> to vector<16xi32>
          tpu.vector_store %arg6[%swap3A_113], %swap3A_116 {strides = array<i32>} : memref<16384xi32, #tpu.memory_space<vmem>>, vector<16xi32>,
          %scan3A_117 = arith.constant 2 : i32
          %scan3A_118 = arith.addi %scan3A_94, %scan3A_117 : i32
          %mul3A_119 = arith.constant 16 : i32
          %mul3A_120 = arith.muli %scan3A_118, %mul3A_119 : i32
          %get3A_121 = arith.index_cast %mul3A_120 : i32 to index
          %get3A_122 = tpu.vector_load %arg6[%get3A_121] {strides = array<i32>} : memref<16384xi32, #tpu.memory_space<vmem>>, vector<16xi32>,
          %get3A_123 = vector.shape_cast %get3A_122 : vector<16xi32> to vector<16xi32>
          %add3A_124 = vector.broadcast %mul3A_26 : i32 to vector<16xi32>
          %add3A_125 = arith.addi %get3A_123, %add3A_124 : vector<16xi32>
          %swap3A_126 = arith.index_cast %mul3A_120 : i32 to index
          %swap3A_127 = tpu.vector_load %arg6[%swap3A_126] {strides = array<i32>} : memref<16384xi32, #tpu.memory_space<vmem>>, vector<16xi32>,
          %swap3A_128 = vector.shape_cast %swap3A_127 : vector<16xi32> to vector<16xi32>
          %swap3A_129 = vector.shape_cast %add3A_125 : vector<16xi32> to vector<16xi32>
          tpu.vector_store %arg6[%swap3A_126], %swap3A_129 {strides = array<i32>} : memref<16384xi32, #tpu.memory_space<vmem>>, vector<16xi32>,
          %scan3A_130 = arith.constant 3 : i32
          %scan3A_131 = arith.addi %scan3A_94, %scan3A_130 : i32
          %mul3A_132 = arith.constant 16 : i32
          %mul3A_133 = arith.muli %scan3A_131, %mul3A_132 : i32
          %get3A_134 = arith.index_cast %mul3A_133 : i32 to index
          %get3A_135 = tpu.vector_load %arg6[%get3A_134] {strides = array<i32>} : memref<16384xi32, #tpu.memory_space<vmem>>, vector<16xi32>,
          %get3A_136 = vector.shape_cast %get3A_135 : vector<16xi32> to vector<16xi32>
          %add3A_137 = vector.broadcast %mul3A_26 : i32 to vector<16xi32>
          %add3A_138 = arith.addi %get3A_136, %add3A_137 : vector<16xi32>
          %swap3A_139 = arith.index_cast %mul3A_133 : i32 to index
          %swap3A_140 = tpu.vector_load %arg6[%swap3A_139] {strides = array<i32>} : memref<16384xi32, #tpu.memory_space<vmem>>, vector<16xi32>,
          %swap3A_141 = vector.shape_cast %swap3A_140 : vector<16xi32> to vector<16xi32>
          %swap3A_142 = vector.shape_cast %add3A_138 : vector<16xi32> to vector<16xi32>
          tpu.vector_store %arg6[%swap3A_139], %swap3A_142 {strides = array<i32>} : memref<16384xi32, #tpu.memory_space<vmem>>, vector<16xi32>,
          %scan3A_143 = arith.constant 4 : i32
          %scan3A_144 = arith.addi %scan3A_94, %scan3A_143 : i32
          %mul3A_145 = arith.constant 16 : i32
          %mul3A_146 = arith.muli %scan3A_144, %mul3A_145 : i32
          %get3A_147 = arith.index_cast %mul3A_146 : i32 to index
          %get3A_148 = tpu.vector_load %arg6[%get3A_147] {strides = array<i32>} : memref<16384xi32, #tpu.memory_space<vmem>>, vector<16xi32>,
          %get3A_149 = vector.shape_cast %get3A_148 : vector<16xi32> to vector<16xi32>
          %add3A_150 = vector.broadcast %mul3A_26 : i32 to vector<16xi32>
          %add3A_151 = arith.addi %get3A_149, %add3A_150 : vector<16xi32>
          %swap3A_152 = arith.index_cast %mul3A_146 : i32 to index
          %swap3A_153 = tpu.vector_load %arg6[%swap3A_152] {strides = array<i32>} : memref<16384xi32, #tpu.memory_space<vmem>>, vector<16xi32>,
          %swap3A_154 = vector.shape_cast %swap3A_153 : vector<16xi32> to vector<16xi32>
          %swap3A_155 = vector.shape_cast %add3A_151 : vector<16xi32> to vector<16xi32>
          tpu.vector_store %arg6[%swap3A_152], %swap3A_155 {strides = array<i32>} : memref<16384xi32, #tpu.memory_space<vmem>>, vector<16xi32>,
          %scan3A_156 = arith.constant 5 : i32
          %scan3A_157 = arith.addi %scan3A_94, %scan3A_156 : i32
          %mul3A_158 = arith.constant 16 : i32
          %mul3A_159 = arith.muli %scan3A_157, %mul3A_158 : i32
          %get3A_160 = arith.index_cast %mul3A_159 : i32 to index
          %get3A_161 = tpu.vector_load %arg6[%get3A_160] {strides = array<i32>} : memref<16384xi32, #tpu.memory_space<vmem>>, vector<16xi32>,
          %get3A_162 = vector.shape_cast %get3A_161 : vector<16xi32> to vector<16xi32>
          %add3A_163 = vector.broadcast %mul3A_26 : i32 to vector<16xi32>
          %add3A_164 = arith.addi %get3A_162, %add3A_163 : vector<16xi32>
          %swap3A_165 = arith.index_cast %mul3A_159 : i32 to index
          %swap3A_166 = tpu.vector_load %arg6[%swap3A_165] {strides = array<i32>} : memref<16384xi32, #tpu.memory_space<vmem>>, vector<16xi32>,
          %swap3A_167 = vector.shape_cast %swap3A_166 : vector<16xi32> to vector<16xi32>
          %swap3A_168 = vector.shape_cast %add3A_164 : vector<16xi32> to vector<16xi32>
          tpu.vector_store %arg6[%swap3A_165], %swap3A_168 {strides = array<i32>} : memref<16384xi32, #tpu.memory_space<vmem>>, vector<16xi32>,
          %scan3A_169 = arith.constant 6 : i32
          %scan3A_170 = arith.addi %scan3A_94, %scan3A_169 : i32
          %mul3A_171 = arith.constant 16 : i32
          %mul3A_172 = arith.muli %scan3A_170, %mul3A_171 : i32
          %get3A_173 = arith.index_cast %mul3A_172 : i32 to index
          %get3A_174 = tpu.vector_load %arg6[%get3A_173] {strides = array<i32>} : memref<16384xi32, #tpu.memory_space<vmem>>, vector<16xi32>,
          %get3A_175 = vector.shape_cast %get3A_174 : vector<16xi32> to vector<16xi32>
          %add3A_176 = vector.broadcast %mul3A_26 : i32 to vector<16xi32>
          %add3A_177 = arith.addi %get3A_175, %add3A_176 : vector<16xi32>
          %swap3A_178 = arith.index_cast %mul3A_172 : i32 to index
          %swap3A_179 = tpu.vector_load %arg6[%swap3A_178] {strides = array<i32>} : memref<16384xi32, #tpu.memory_space<vmem>>, vector<16xi32>,
          %swap3A_180 = vector.shape_cast %swap3A_179 : vector<16xi32> to vector<16xi32>
          %swap3A_181 = vector.shape_cast %add3A_177 : vector<16xi32> to vector<16xi32>
          tpu.vector_store %arg6[%swap3A_178], %swap3A_181 {strides = array<i32>} : memref<16384xi32, #tpu.memory_space<vmem>>, vector<16xi32>,
          %scan3A_182 = arith.constant 7 : i32
          %scan3A_183 = arith.addi %scan3A_94, %scan3A_182 : i32
          %mul3A_184 = arith.constant 16 : i32
          %mul3A_185 = arith.muli %scan3A_183, %mul3A_184 : i32
          %get3A_186 = arith.index_cast %mul3A_185 : i32 to index
          %get3A_187 = tpu.vector_load %arg6[%get3A_186] {strides = array<i32>} : memref<16384xi32, #tpu.memory_space<vmem>>, vector<16xi32>,
          %get3A_188 = vector.shape_cast %get3A_187 : vector<16xi32> to vector<16xi32>
          %add3A_189 = vector.broadcast %mul3A_26 : i32 to vector<16xi32>
          %add3A_190 = arith.addi %get3A_188, %add3A_189 : vector<16xi32>
          %swap3A_191 = arith.index_cast %mul3A_185 : i32 to index
          %swap3A_192 = tpu.vector_load %arg6[%swap3A_191] {strides = array<i32>} : memref<16384xi32, #tpu.memory_space<vmem>>, vector<16xi32>,
          %swap3A_193 = vector.shape_cast %swap3A_192 : vector<16xi32> to vector<16xi32>
          %swap3A_194 = vector.shape_cast %add3A_190 : vector<16xi32> to vector<16xi32>
          tpu.vector_store %arg6[%swap3A_191], %swap3A_194 {strides = array<i32>} : memref<16384xi32, #tpu.memory_space<vmem>>, vector<16xi32>,
        }
        %scan3A_58 = arith.constant 1024 : i32
        %gt3A = arith.constant 0 : i32
        %gt3A_59 = arith.cmpi sgt, %scan3A_41, %gt3A : i32
        %convert_element_type3A_60 = arith.extui %gt3A_59 : i1 to i32
        %cond3A_61 = arith.constant 0 : i32
        %cond3A_62 = arith.cmpi ne, %convert_element_type3A_60, %cond3A_61 : i32
        scf.if %cond3A_62 {
          %dma_wait3A_94 = arith.constant 0 : i32
          %dma_wait3A_95 = tpu.memref_slice %arg4[%dma_wait3A_94] : memref<8388608xf32, #tpu.memory_space<hbm>> -> memref<8388608xf32, #tpu.memory_space<hbm>>
          tpu.wait_indirect_dma semaphore(%arg14 : memref<!tpu.dma_semaphore, #tpu.memory_space<semaphore_mem>>) src(%arg9 : memref<16384xf32, #tpu.memory_space<vmem>>) dst(%dma_wait3A_95 : memref<8388608xf32, #tpu.memory_space<hbm>>)
        } else {
        }
        %mul3A_63 = arith.constant 16384 : i32
        %mul3A_64 = arith.muli %add3A_45, %mul3A_63 : i32
        %add3A_65 = arith.addi %mul3A_28, %mul3A_64 : i32
        %dma_start3A_66 = tpu.memref_slice %arg2[%add3A_65] : memref<2097152xi32, #tpu.memory_space<hbm>> -> memref<16384xi32, #tpu.memory_space<hbm>>
        %dma_start3A_67 = tpu.memref_slice %arg2[%add3A_65] : memref<2097152xi32, #tpu.memory_space<hbm>> -> memref<16384xi32, #tpu.memory_space<hbm>>
        tpu.enqueue_dma source(%dma_start3A_67 : memref<16384xi32, #tpu.memory_space<hbm>>) target(%arg7 : memref<16384xi32, #tpu.memory_space<vmem>>) target_semaphore(%arg11 : memref<!tpu.dma_semaphore, #tpu.memory_space<semaphore_mem>>)
        %dma_start3A_68 = tpu.memref_slice %arg3[%add3A_65] : memref<2097152xf32, #tpu.memory_space<hbm>> -> memref<16384xf32, #tpu.memory_space<hbm>>
        %dma_start3A_69 = tpu.memref_slice %arg3[%add3A_65] : memref<2097152xf32, #tpu.memory_space<hbm>> -> memref<16384xf32, #tpu.memory_space<hbm>>
        tpu.enqueue_dma source(%dma_start3A_69 : memref<16384xf32, #tpu.memory_space<hbm>>) target(%arg9 : memref<16384xf32, #tpu.memory_space<vmem>>) target_semaphore(%arg13 : memref<!tpu.dma_semaphore, #tpu.memory_space<semaphore_mem>>)
        %dma_start3A_70 = arith.constant 0 : i32
        %dma_start3A_71 = tpu.memref_slice %arg4[%dma_start3A_70] : memref<8388608xf32, #tpu.memory_space<hbm>> -> memref<8388608xf32, #tpu.memory_space<hbm>>
        tpu.enqueue_indirect_dma source(%arg8 : memref<16384xf32, #tpu.memory_space<vmem>>) target(%dma_start3A_71 : memref<8388608xf32, #tpu.memory_space<hbm>>) offsets(%arg6 : memref<16384xi32, #tpu.memory_space<vmem>>) semaphore(%arg14 : memref<!tpu.dma_semaphore, #tpu.memory_space<semaphore_mem>>)
        %mul3A_72 = arith.constant 16384 : i32
        %mul3A_73 = arith.muli %add3A_45, %mul3A_72 : i32
        %add3A_74 = arith.addi %mul3A_28, %mul3A_73 : i32
        %dma_wait3A_75 = tpu.memref_slice %arg2[%add3A_74] : memref<2097152xi32, #tpu.memory_space<hbm>> -> memref<16384xi32, #tpu.memory_space<hbm>>
        %dma_wait3A_76 = tpu.memref_slice %arg2[%add3A_74] : memref<2097152xi32, #tpu.memory_space<hbm>> -> memref<16384xi32, #tpu.memory_space<hbm>>
        tpu.wait_dma2 semaphore(%arg11 : memref<!tpu.dma_semaphore, #tpu.memory_space<semaphore_mem>>) src(%dma_wait3A_76 : memref<16384xi32, #tpu.memory_space<hbm>>) dst(%arg7 : memref<16384xi32, #tpu.memory_space<vmem>>)
        %dma_wait3A_77 = tpu.memref_slice %arg3[%add3A_74] : memref<2097152xf32, #tpu.memory_space<hbm>> -> memref<16384xf32, #tpu.memory_space<hbm>>
        %dma_wait3A_78 = tpu.memref_slice %arg3[%add3A_74] : memref<2097152xf32, #tpu.memory_space<hbm>> -> memref<16384xf32, #tpu.memory_space<hbm>>
        tpu.wait_dma2 semaphore(%arg13 : memref<!tpu.dma_semaphore, #tpu.memory_space<semaphore_mem>>) src(%dma_wait3A_78 : memref<16384xf32, #tpu.memory_space<hbm>>) dst(%arg9 : memref<16384xf32, #tpu.memory_space<vmem>>)
        %scan3A_79 = arith.constant 0 : i32
        %scan3A_80 = arith.constant 0 : i32
        %scan3A_81 = arith.constant 1024 : i32
        %scan3A_82 = arith.addi %scan3A_80, %scan3A_81 : i32
        %scan3A_83 = arith.constant 8 : i32
        scf.for %scan3A_94 = %scan3A_80 to %scan3A_82 step %scan3A_83  : i32 {
          %mul3A_95 = arith.constant 16 : i32
          %mul3A_96 = arith.muli %scan3A_94, %mul3A_95 : i32
          %get3A = arith.index_cast %mul3A_96 : i32 to index
          %get3A_97 = tpu.vector_load %arg7[%get3A] {strides = array<i32>} : memref<16384xi32, #tpu.memory_space<vmem>>, vector<16xi32>,
          %get3A_98 = vector.shape_cast %get3A_97 : vector<16xi32> to vector<16xi32>
          %add3A_99 = vector.broadcast %mul3A_26 : i32 to vector<16xi32>
          %add3A_100 = arith.addi %get3A_98, %add3A_99 : vector<16xi32>
          %swap3A = arith.index_cast %mul3A_96 : i32 to index
          %swap3A_101 = tpu.vector_load %arg7[%swap3A] {strides = array<i32>} : memref<16384xi32, #tpu.memory_space<vmem>>, vector<16xi32>,
          %swap3A_102 = vector.shape_cast %swap3A_101 : vector<16xi32> to vector<16xi32>
          %swap3A_103 = vector.shape_cast %add3A_100 : vector<16xi32> to vector<16xi32>
          tpu.vector_store %arg7[%swap3A], %swap3A_103 {strides = array<i32>} : memref<16384xi32, #tpu.memory_space<vmem>>, vector<16xi32>,
          %scan3A_104 = arith.constant 1 : i32
          %scan3A_105 = arith.addi %scan3A_94, %scan3A_104 : i32
          %mul3A_106 = arith.constant 16 : i32
          %mul3A_107 = arith.muli %scan3A_105, %mul3A_106 : i32
          %get3A_108 = arith.index_cast %mul3A_107 : i32 to index
          %get3A_109 = tpu.vector_load %arg7[%get3A_108] {strides = array<i32>} : memref<16384xi32, #tpu.memory_space<vmem>>, vector<16xi32>,
          %get3A_110 = vector.shape_cast %get3A_109 : vector<16xi32> to vector<16xi32>
          %add3A_111 = vector.broadcast %mul3A_26 : i32 to vector<16xi32>
          %add3A_112 = arith.addi %get3A_110, %add3A_111 : vector<16xi32>
          %swap3A_113 = arith.index_cast %mul3A_107 : i32 to index
          %swap3A_114 = tpu.vector_load %arg7[%swap3A_113] {strides = array<i32>} : memref<16384xi32, #tpu.memory_space<vmem>>, vector<16xi32>,
          %swap3A_115 = vector.shape_cast %swap3A_114 : vector<16xi32> to vector<16xi32>
          %swap3A_116 = vector.shape_cast %add3A_112 : vector<16xi32> to vector<16xi32>
          tpu.vector_store %arg7[%swap3A_113], %swap3A_116 {strides = array<i32>} : memref<16384xi32, #tpu.memory_space<vmem>>, vector<16xi32>,
          %scan3A_117 = arith.constant 2 : i32
          %scan3A_118 = arith.addi %scan3A_94, %scan3A_117 : i32
          %mul3A_119 = arith.constant 16 : i32
          %mul3A_120 = arith.muli %scan3A_118, %mul3A_119 : i32
          %get3A_121 = arith.index_cast %mul3A_120 : i32 to index
          %get3A_122 = tpu.vector_load %arg7[%get3A_121] {strides = array<i32>} : memref<16384xi32, #tpu.memory_space<vmem>>, vector<16xi32>,
          %get3A_123 = vector.shape_cast %get3A_122 : vector<16xi32> to vector<16xi32>
          %add3A_124 = vector.broadcast %mul3A_26 : i32 to vector<16xi32>
          %add3A_125 = arith.addi %get3A_123, %add3A_124 : vector<16xi32>
          %swap3A_126 = arith.index_cast %mul3A_120 : i32 to index
          %swap3A_127 = tpu.vector_load %arg7[%swap3A_126] {strides = array<i32>} : memref<16384xi32, #tpu.memory_space<vmem>>, vector<16xi32>,
          %swap3A_128 = vector.shape_cast %swap3A_127 : vector<16xi32> to vector<16xi32>
          %swap3A_129 = vector.shape_cast %add3A_125 : vector<16xi32> to vector<16xi32>
          tpu.vector_store %arg7[%swap3A_126], %swap3A_129 {strides = array<i32>} : memref<16384xi32, #tpu.memory_space<vmem>>, vector<16xi32>,
          %scan3A_130 = arith.constant 3 : i32
          %scan3A_131 = arith.addi %scan3A_94, %scan3A_130 : i32
          %mul3A_132 = arith.constant 16 : i32
          %mul3A_133 = arith.muli %scan3A_131, %mul3A_132 : i32
          %get3A_134 = arith.index_cast %mul3A_133 : i32 to index
          %get3A_135 = tpu.vector_load %arg7[%get3A_134] {strides = array<i32>} : memref<16384xi32, #tpu.memory_space<vmem>>, vector<16xi32>,
          %get3A_136 = vector.shape_cast %get3A_135 : vector<16xi32> to vector<16xi32>
          %add3A_137 = vector.broadcast %mul3A_26 : i32 to vector<16xi32>
          %add3A_138 = arith.addi %get3A_136, %add3A_137 : vector<16xi32>
          %swap3A_139 = arith.index_cast %mul3A_133 : i32 to index
          %swap3A_140 = tpu.vector_load %arg7[%swap3A_139] {strides = array<i32>} : memref<16384xi32, #tpu.memory_space<vmem>>, vector<16xi32>,
          %swap3A_141 = vector.shape_cast %swap3A_140 : vector<16xi32> to vector<16xi32>
          %swap3A_142 = vector.shape_cast %add3A_138 : vector<16xi32> to vector<16xi32>
          tpu.vector_store %arg7[%swap3A_139], %swap3A_142 {strides = array<i32>} : memref<16384xi32, #tpu.memory_space<vmem>>, vector<16xi32>,
          %scan3A_143 = arith.constant 4 : i32
          %scan3A_144 = arith.addi %scan3A_94, %scan3A_143 : i32
          %mul3A_145 = arith.constant 16 : i32
          %mul3A_146 = arith.muli %scan3A_144, %mul3A_145 : i32
          %get3A_147 = arith.index_cast %mul3A_146 : i32 to index
          %get3A_148 = tpu.vector_load %arg7[%get3A_147] {strides = array<i32>} : memref<16384xi32, #tpu.memory_space<vmem>>, vector<16xi32>,
          %get3A_149 = vector.shape_cast %get3A_148 : vector<16xi32> to vector<16xi32>
          %add3A_150 = vector.broadcast %mul3A_26 : i32 to vector<16xi32>
          %add3A_151 = arith.addi %get3A_149, %add3A_150 : vector<16xi32>
          %swap3A_152 = arith.index_cast %mul3A_146 : i32 to index
          %swap3A_153 = tpu.vector_load %arg7[%swap3A_152] {strides = array<i32>} : memref<16384xi32, #tpu.memory_space<vmem>>, vector<16xi32>,
          %swap3A_154 = vector.shape_cast %swap3A_153 : vector<16xi32> to vector<16xi32>
          %swap3A_155 = vector.shape_cast %add3A_151 : vector<16xi32> to vector<16xi32>
          tpu.vector_store %arg7[%swap3A_152], %swap3A_155 {strides = array<i32>} : memref<16384xi32, #tpu.memory_space<vmem>>, vector<16xi32>,
          %scan3A_156 = arith.constant 5 : i32
          %scan3A_157 = arith.addi %scan3A_94, %scan3A_156 : i32
          %mul3A_158 = arith.constant 16 : i32
          %mul3A_159 = arith.muli %scan3A_157, %mul3A_158 : i32
          %get3A_160 = arith.index_cast %mul3A_159 : i32 to index
          %get3A_161 = tpu.vector_load %arg7[%get3A_160] {strides = array<i32>} : memref<16384xi32, #tpu.memory_space<vmem>>, vector<16xi32>,
          %get3A_162 = vector.shape_cast %get3A_161 : vector<16xi32> to vector<16xi32>
          %add3A_163 = vector.broadcast %mul3A_26 : i32 to vector<16xi32>
          %add3A_164 = arith.addi %get3A_162, %add3A_163 : vector<16xi32>
          %swap3A_165 = arith.index_cast %mul3A_159 : i32 to index
          %swap3A_166 = tpu.vector_load %arg7[%swap3A_165] {strides = array<i32>} : memref<16384xi32, #tpu.memory_space<vmem>>, vector<16xi32>,
          %swap3A_167 = vector.shape_cast %swap3A_166 : vector<16xi32> to vector<16xi32>
          %swap3A_168 = vector.shape_cast %add3A_164 : vector<16xi32> to vector<16xi32>
          tpu.vector_store %arg7[%swap3A_165], %swap3A_168 {strides = array<i32>} : memref<16384xi32, #tpu.memory_space<vmem>>, vector<16xi32>,
          %scan3A_169 = arith.constant 6 : i32
          %scan3A_170 = arith.addi %scan3A_94, %scan3A_169 : i32
          %mul3A_171 = arith.constant 16 : i32
          %mul3A_172 = arith.muli %scan3A_170, %mul3A_171 : i32
          %get3A_173 = arith.index_cast %mul3A_172 : i32 to index
          %get3A_174 = tpu.vector_load %arg7[%get3A_173] {strides = array<i32>} : memref<16384xi32, #tpu.memory_space<vmem>>, vector<16xi32>,
          %get3A_175 = vector.shape_cast %get3A_174 : vector<16xi32> to vector<16xi32>
          %add3A_176 = vector.broadcast %mul3A_26 : i32 to vector<16xi32>
          %add3A_177 = arith.addi %get3A_175, %add3A_176 : vector<16xi32>
          %swap3A_178 = arith.index_cast %mul3A_172 : i32 to index
          %swap3A_179 = tpu.vector_load %arg7[%swap3A_178] {strides = array<i32>} : memref<16384xi32, #tpu.memory_space<vmem>>, vector<16xi32>,
          %swap3A_180 = vector.shape_cast %swap3A_179 : vector<16xi32> to vector<16xi32>
          %swap3A_181 = vector.shape_cast %add3A_177 : vector<16xi32> to vector<16xi32>
          tpu.vector_store %arg7[%swap3A_178], %swap3A_181 {strides = array<i32>} : memref<16384xi32, #tpu.memory_space<vmem>>, vector<16xi32>,
          %scan3A_182 = arith.constant 7 : i32
          %scan3A_183 = arith.addi %scan3A_94, %scan3A_182 : i32
          %mul3A_184 = arith.constant 16 : i32
          %mul3A_185 = arith.muli %scan3A_183, %mul3A_184 : i32
          %get3A_186 = arith.index_cast %mul3A_185 : i32 to index
          %get3A_187 = tpu.vector_load %arg7[%get3A_186] {strides = array<i32>} : memref<16384xi32, #tpu.memory_space<vmem>>, vector<16xi32>,
          %get3A_188 = vector.shape_cast %get3A_187 : vector<16xi32> to vector<16xi32>
          %add3A_189 = vector.broadcast %mul3A_26 : i32 to vector<16xi32>
          %add3A_190 = arith.addi %get3A_188, %add3A_189 : vector<16xi32>
          %swap3A_191 = arith.index_cast %mul3A_185 : i32 to index
          %swap3A_192 = tpu.vector_load %arg7[%swap3A_191] {strides = array<i32>} : memref<16384xi32, #tpu.memory_space<vmem>>, vector<16xi32>,
          %swap3A_193 = vector.shape_cast %swap3A_192 : vector<16xi32> to vector<16xi32>
          %swap3A_194 = vector.shape_cast %add3A_190 : vector<16xi32> to vector<16xi32>
          tpu.vector_store %arg7[%swap3A_191], %swap3A_194 {strides = array<i32>} : memref<16384xi32, #tpu.memory_space<vmem>>, vector<16xi32>,
        }
        %scan3A_84 = arith.constant 1024 : i32
        %dma_wait3A_85 = arith.constant 0 : i32
        %dma_wait3A_86 = tpu.memref_slice %arg4[%dma_wait3A_85] : memref<8388608xf32, #tpu.memory_space<hbm>> -> memref<8388608xf32, #tpu.memory_space<hbm>>
        tpu.wait_indirect_dma semaphore(%arg14 : memref<!tpu.dma_semaphore, #tpu.memory_space<semaphore_mem>>) src(%arg8 : memref<16384xf32, #tpu.memory_space<vmem>>) dst(%dma_wait3A_86 : memref<8388608xf32, #tpu.memory_space<hbm>>)
        %lt3A_87 = arith.constant 15 : i32
        %lt3A_88 = arith.cmpi slt, %scan3A_41, %lt3A_87 : i32
        %convert_element_type3A_89 = arith.extui %lt3A_88 : i1 to i32
        %cond3A_90 = arith.constant 0 : i32
        %cond3A_91 = arith.cmpi ne, %convert_element_type3A_89, %cond3A_90 : i32
        scf.if %cond3A_91 {
          %add3A_94 = arith.constant 2 : i32
          %add3A_95 = arith.addi %mul3A_43, %add3A_94 : i32
          %mul3A_96 = arith.constant 16384 : i32
          %mul3A_97 = arith.muli %add3A_95, %mul3A_96 : i32
          %add3A_98 = arith.addi %mul3A_28, %mul3A_97 : i32
          %dma_start3A_99 = tpu.memref_slice %arg2[%add3A_98] : memref<2097152xi32, #tpu.memory_space<hbm>> -> memref<16384xi32, #tpu.memory_space<hbm>>
          %dma_start3A_100 = tpu.memref_slice %arg2[%add3A_98] : memref<2097152xi32, #tpu.memory_space<hbm>> -> memref<16384xi32, #tpu.memory_space<hbm>>
          tpu.enqueue_dma source(%dma_start3A_100 : memref<16384xi32, #tpu.memory_space<hbm>>) target(%arg6 : memref<16384xi32, #tpu.memory_space<vmem>>) target_semaphore(%arg10 : memref<!tpu.dma_semaphore, #tpu.memory_space<semaphore_mem>>)
          %dma_start3A_101 = tpu.memref_slice %arg3[%add3A_98] : memref<2097152xf32, #tpu.memory_space<hbm>> -> memref<16384xf32, #tpu.memory_space<hbm>>
          %dma_start3A_102 = tpu.memref_slice %arg3[%add3A_98] : memref<2097152xf32, #tpu.memory_space<hbm>> -> memref<16384xf32, #tpu.memory_space<hbm>>
          tpu.enqueue_dma source(%dma_start3A_102 : memref<16384xf32, #tpu.memory_space<hbm>>) target(%arg8 : memref<16384xf32, #tpu.memory_space<vmem>>) target_semaphore(%arg12 : memref<!tpu.dma_semaphore, #tpu.memory_space<semaphore_mem>>)
        } else {
        }
        %dma_start3A_92 = arith.constant 0 : i32
        %dma_start3A_93 = tpu.memref_slice %arg4[%dma_start3A_92] : memref<8388608xf32, #tpu.memory_space<hbm>> -> memref<8388608xf32, #tpu.memory_space<hbm>>
        tpu.enqueue_indirect_dma source(%arg9 : memref<16384xf32, #tpu.memory_space<vmem>>) target(%dma_start3A_93 : memref<8388608xf32, #tpu.memory_space<hbm>>) offsets(%arg7 : memref<16384xi32, #tpu.memory_space<vmem>>) semaphore(%arg14 : memref<!tpu.dma_semaphore, #tpu.memory_space<semaphore_mem>>)
      }
      %scan3A_39 = arith.constant 16 : i32
      %dma_wait3A = arith.constant 0 : i32
      %dma_wait3A_40 = tpu.memref_slice %arg4[%dma_wait3A] : memref<8388608xf32, #tpu.memory_space<hbm>> -> memref<8388608xf32, #tpu.memory_space<hbm>>
      tpu.wait_indirect_dma semaphore(%arg14 : memref<!tpu.dma_semaphore, #tpu.memory_space<semaphore_mem>>) src(%arg9 : memref<16384xf32, #tpu.memory_space<vmem>>) dst(%dma_wait3A_40 : memref<8388608xf32, #tpu.memory_space<hbm>>)
    } else {
    }
    return
  }
}

module attributes {stable_mosaic.version = 14 : i64} {
  func.func @_merge_body(%arg0: i32, %arg1: memref<512x1024xf32, #tpu.memory_space<vmem>>, %arg2: memref<512x1024xf32, #tpu.memory_space<vmem>>, %arg3: memref<512x1024xf32, #tpu.memory_space<vmem>>, %arg4: memref<1x1xf32, #tpu.memory_space<smem>>, %arg5: memref<1x1xf32, #tpu.memory_space<smem>>) attributes {dimension_semantics = [#tpu.dimension_semantics<arbitrary>], iteration_bounds = array<i64: 16>, scalar_prefetch = 0 : i64, scratch_operands = 0 : i64, tpu.core_type = #tpu.core_type<tc>, window_params = [{transform_indices = @transform_0, window_bounds = array<i64: 512, 1024>}, {transform_indices = @transform_1, window_bounds = array<i64: 512, 1024>}, {transform_indices = @transform_2, window_bounds = array<i64: 512, 1024>}, {transform_indices = @transform_3, window_bounds = array<i64: 1, 1>}, {transform_indices = @transform_4, window_bounds = array<i64: 1, 1>}]} {
    %eq3A = arith.constant 0 : i32
    %eq3A_0 = arith.cmpi eq, %arg0, %eq3A : i32
    %convert_element_type3A = arith.extui %eq3A_0 : i1 to i32
    %cond3A = arith.constant 0 : i32
    %cond3A_1 = arith.cmpi ne, %convert_element_type3A, %cond3A : i32
    scf.if %cond3A_1 {
      %swap3A_43 = arith.constant 0.000000e+00 : f32
      %swap3A_44 = arith.constant 0 : index
      %swap3A_45 = arith.constant 0 : index
      %swap3A_46 = memref.load %arg4[%swap3A_44, %swap3A_45] : memref<1x1xf32, #tpu.memory_space<smem>>
      memref.store %swap3A_43, %arg4[%swap3A_44, %swap3A_45] : memref<1x1xf32, #tpu.memory_space<smem>>
      %swap3A_47 = arith.constant 0.000000e+00 : f32
      %swap3A_48 = arith.constant 0 : index
      %swap3A_49 = arith.constant 0 : index
      %swap3A_50 = memref.load %arg5[%swap3A_48, %swap3A_49] : memref<1x1xf32, #tpu.memory_space<smem>>
      memref.store %swap3A_47, %arg5[%swap3A_48, %swap3A_49] : memref<1x1xf32, #tpu.memory_space<smem>>
    } else {
    }
    %get3A = arith.constant 0 : index
    %get3A_2 = arith.constant 0 : index
    %get3A_3 = vector.load %arg1[%get3A, %get3A_2] : memref<512x1024xf32, #tpu.memory_space<vmem>>, vector<512x1024xf32>
    %get3A_4 = arith.constant 0 : index
    %get3A_5 = arith.constant 0 : index
    %get3A_6 = vector.load %arg2[%get3A_4, %get3A_5] : memref<512x1024xf32, #tpu.memory_space<vmem>>, vector<512x1024xf32>
    %ge3A = arith.constant 0.000000e+00 : f32
    %ge3A_7 = vector.broadcast %ge3A : f32 to vector<512x1024xf32>
    %ge3A_8 = arith.cmpf oge, %get3A_3, %ge3A_7 : vector<512x1024xf32>
    %ge3A_9 = arith.constant 0.000000e+00 : f32
    %ge3A_10 = vector.broadcast %ge3A_9 : f32 to vector<512x1024xf32>
    %ge3A_11 = arith.cmpf oge, %get3A_6, %ge3A_10 : vector<512x1024xf32>
    %and3A = arith.andi %ge3A_8, %ge3A_11 : vector<512x1024xi1>
    %mul3A = arith.constant 0.949999988 : f32
    %mul3A_12 = vector.broadcast %mul3A : f32 to vector<512x1024xf32>
    %mul3A_13 = arith.mulf %get3A_3, %mul3A_12 : vector<512x1024xf32>
    %max3A = arith.maximumf %mul3A_13, %get3A_6 : vector<512x1024xf32>
    %select_n3A = arith.select %and3A, %max3A, %get3A_3 : vector<512x1024xi1>, vector<512x1024xf32>
    %swap3A = arith.constant 0 : index
    %swap3A_14 = arith.constant 0 : index
    %swap3A_15 = vector.load %arg3[%swap3A, %swap3A_14] : memref<512x1024xf32, #tpu.memory_space<vmem>>, vector<512x1024xf32>
    tpu.vector_store %arg3[%swap3A, %swap3A_14], %select_n3A {strides = array<i32>} : memref<512x1024xf32, #tpu.memory_space<vmem>>, vector<512x1024xf32>,
    %gt3A = arith.constant 0.000000e+00 : f32
    %gt3A_16 = vector.broadcast %gt3A : f32 to vector<512x1024xf32>
    %gt3A_17 = arith.cmpf ogt, %select_n3A, %gt3A_16 : vector<512x1024xf32>
    %get3A_18 = arith.constant 0 : index
    %get3A_19 = arith.constant 0 : index
    %get3A_20 = memref.load %arg4[%get3A_18, %get3A_19] : memref<1x1xf32, #tpu.memory_space<smem>>
    %jit3A = arith.constant 0.000000e+00 : f32
    %broadcast_in_dim3A = vector.broadcast %jit3A : f32 to vector<512x1024xf32>
    %select_n3A_21 = arith.select %gt3A_17, %select_n3A, %broadcast_in_dim3A : vector<512x1024xi1>, vector<512x1024xf32>
    %reduce_sum3A = vector.shape_cast %select_n3A_21 : vector<512x1024xf32> to vector<1x512x1024xf32>
    %reduce_sum3A_22 = arith.constant dense<0.000000e+00> : vector<1xf32>
    %reduce_sum3A_23 = vector.multi_reduction <add>, %reduce_sum3A, %reduce_sum3A_22 [1, 2] : vector<1x512x1024xf32> to vector<1xf32>
    %reduce_sum3A_24 = vector.shape_cast %reduce_sum3A_23 : vector<1xf32> to vector<1x1x1xf32>
    %reduce_sum3A_25 = vector.extract %reduce_sum3A_24[0, 0, 0] : f32 from vector<1x1x1xf32>
    %add3A = arith.addf %get3A_20, %reduce_sum3A_25 : f32
    %swap3A_26 = arith.constant 0 : index
    %swap3A_27 = arith.constant 0 : index
    %swap3A_28 = memref.load %arg4[%swap3A_26, %swap3A_27] : memref<1x1xf32, #tpu.memory_space<smem>>
    memref.store %add3A, %arg4[%swap3A_26, %swap3A_27] : memref<1x1xf32, #tpu.memory_space<smem>>
    %get3A_29 = arith.constant 0 : index
    %get3A_30 = arith.constant 0 : index
    %get3A_31 = memref.load %arg5[%get3A_29, %get3A_30] : memref<1x1xf32, #tpu.memory_space<smem>>
    %convert_element_type3A_32 = arith.extui %gt3A_17 : vector<512x1024xi1> to vector<512x1024xi32>
    %convert_element_type3A_33 = arith.sitofp %convert_element_type3A_32 : vector<512x1024xi32> to vector<512x1024xf32>
    %reduce_sum3A_34 = vector.shape_cast %convert_element_type3A_33 : vector<512x1024xf32> to vector<1x512x1024xf32>
    %reduce_sum3A_35 = arith.constant dense<0.000000e+00> : vector<1xf32>
    %reduce_sum3A_36 = vector.multi_reduction <add>, %reduce_sum3A_34, %reduce_sum3A_35 [1, 2] : vector<1x512x1024xf32> to vector<1xf32>
    %reduce_sum3A_37 = vector.shape_cast %reduce_sum3A_36 : vector<1xf32> to vector<1x1x1xf32>
    %reduce_sum3A_38 = vector.extract %reduce_sum3A_37[0, 0, 0] : f32 from vector<1x1x1xf32>
    %add3A_39 = arith.addf %get3A_31, %reduce_sum3A_38 : f32
    %swap3A_40 = arith.constant 0 : index
    %swap3A_41 = arith.constant 0 : index
    %swap3A_42 = memref.load %arg5[%swap3A_40, %swap3A_41] : memref<1x1xf32, #tpu.memory_space<smem>>
    memref.store %add3A_39, %arg5[%swap3A_40, %swap3A_41] : memref<1x1xf32, #tpu.memory_space<smem>>
    return
  }
  func.func @transform_0(%arg0: i32) -> (i32, i32) {
    %c0_i32 = arith.constant 0 : i32
    %c0_i32_0 = arith.constant 0 : i32
    return %arg0, %c0_i32 : i32, i32
  }
  func.func @transform_1(%arg0: i32) -> (i32, i32) {
    %c0_i32 = arith.constant 0 : i32
    %c0_i32_0 = arith.constant 0 : i32
    return %arg0, %c0_i32 : i32, i32
  }
  func.func @transform_2(%arg0: i32) -> (i32, i32) {
    %c0_i32 = arith.constant 0 : i32
    %c0_i32_0 = arith.constant 0 : i32
    return %arg0, %c0_i32 : i32, i32
  }
  func.func @transform_3(%arg0: i32) -> (i32, i32) {
    %c0_i32 = arith.constant 0 : i32
    %c0_i32_0 = arith.constant 0 : i32
    %c0_i32_1 = arith.constant 0 : i32
    return %c0_i32, %c0_i32_0 : i32, i32
  }
  func.func @transform_4(%arg0: i32) -> (i32, i32) {
    %c0_i32 = arith.constant 0 : i32
    %c0_i32_0 = arith.constant 0 : i32
    %c0_i32_1 = arith.constant 0 : i32
    return %c0_i32, %c0_i32_0 : i32, i32
  }
}

module attributes {stable_mosaic.version = 14 : i64} {
  func.func @_bitfield_body(%arg0: i32, %arg1: memref<1x1xf32, #tpu.memory_space<smem>>, %arg2: memref<512x1024xf32, #tpu.memory_space<vmem>>, %arg3: memref<512x128xi8, #tpu.memory_space<vmem>>) attributes {dimension_semantics = [#tpu.dimension_semantics<arbitrary>], iteration_bounds = array<i64: 16>, scalar_prefetch = 0 : i64, scratch_operands = 0 : i64, tpu.core_type = #tpu.core_type<tc>, window_params = [{transform_indices = @transform_0, window_bounds = array<i64: 1, 1>}, {transform_indices = @transform_1, window_bounds = array<i64: 512, 1024>}, {transform_indices = @transform_2, window_bounds = array<i64: 512, 128>}]} {
    %get3A = arith.constant 0 : index
    %get3A_0 = arith.constant 0 : index
    %get3A_1 = memref.load %arg1[%get3A, %get3A_0] : memref<1x1xf32, #tpu.memory_space<smem>>
    %get3A_2 = arith.constant 0 : index
    %get3A_3 = arith.constant 0 : index
    %get3A_4 = vector.load %arg2[%get3A_2, %get3A_3] : memref<512x1024xf32, #tpu.memory_space<vmem>>, vector<512x1024xf32>
    %gt3A = vector.broadcast %get3A_1 : f32 to vector<512x1024xf32>
    %gt3A_5 = arith.cmpf ogt, %get3A_4, %gt3A : vector<512x1024xf32>
    %convert_element_type3A = arith.extui %gt3A_5 : vector<512x1024xi1> to vector<512x1024xi32>
    %convert_element_type3A_6 = arith.sitofp %convert_element_type3A : vector<512x1024xi32> to vector<512x1024xf32>
    %iota3A = tpu.iota {dimensions = array<i32: 0>} : vector<1024x128xi32>
    %iota3A_7 = tpu.iota {dimensions = array<i32: 1>} : vector<1024x128xi32>
    %jit3A = arith.constant 8 : i32
    %div3A = vector.broadcast %jit3A : i32 to vector<1024x128xi32>
    %div3A_8 = arith.divsi %iota3A, %div3A : vector<1024x128xi32>
    %sign3A = arith.constant 0 : i32
    %sign3A_9 = vector.broadcast %sign3A : i32 to vector<1024x128xi32>
    %sign3A_10 = arith.cmpi sgt, %iota3A, %sign3A_9 : vector<1024x128xi32>
    %sign3A_11 = arith.extui %sign3A_10 : vector<1024x128xi1> to vector<1024x128xi32>
    %sign3A_12 = arith.constant 0 : i32
    %sign3A_13 = vector.broadcast %sign3A_12 : i32 to vector<1024x128xi32>
    %sign3A_14 = arith.cmpi slt, %iota3A, %sign3A_13 : vector<1024x128xi32>
    %sign3A_15 = arith.extui %sign3A_14 : vector<1024x128xi1> to vector<1024x128xi32>
    %sign3A_16 = arith.subi %sign3A_11, %sign3A_15 : vector<1024x128xi32>
    %sign3A_17 = arith.constant 0 : i32
    %sign3A_18 = arith.cmpi sgt, %jit3A, %sign3A_17 : i32
    %sign3A_19 = arith.extui %sign3A_18 : i1 to i32
    %sign3A_20 = arith.constant 0 : i32
    %sign3A_21 = arith.cmpi slt, %jit3A, %sign3A_20 : i32
    %sign3A_22 = arith.extui %sign3A_21 : i1 to i32
    %sign3A_23 = arith.subi %sign3A_19, %sign3A_22 : i32
    %ne3A = vector.broadcast %sign3A_23 : i32 to vector<1024x128xi32>
    %ne3A_24 = arith.cmpi ne, %sign3A_16, %ne3A : vector<1024x128xi32>
    %rem3A = vector.broadcast %jit3A : i32 to vector<1024x128xi32>
    %rem3A_25 = arith.remsi %iota3A, %rem3A : vector<1024x128xi32>
    %ne3A_26 = arith.constant 0 : i32
    %ne3A_27 = vector.broadcast %ne3A_26 : i32 to vector<1024x128xi32>
    %ne3A_28 = arith.cmpi ne, %rem3A_25, %ne3A_27 : vector<1024x128xi32>
    %and3A = arith.andi %ne3A_24, %ne3A_28 : vector<1024x128xi1>
    %sub3A = arith.constant 1 : i32
    %sub3A_29 = vector.broadcast %sub3A : i32 to vector<1024x128xi32>
    %sub3A_30 = arith.subi %div3A_8, %sub3A_29 : vector<1024x128xi32>
    %select_n3A = arith.select %and3A, %sub3A_30, %div3A_8 : vector<1024x128xi1>, vector<1024x128xi32>
    %eq3A = arith.cmpi eq, %select_n3A, %iota3A_7 : vector<1024x128xi32>
    %jit3A_31 = arith.constant 8 : i32
    %eq3A_32 = arith.constant 0 : i32
    %eq3A_33 = arith.cmpi eq, %jit3A_31, %eq3A_32 : i32
    %jit3A_34 = arith.constant 1 : i32
    %select_n3A_35 = arith.select %eq3A_33, %jit3A_34, %jit3A_31 : i32
    %rem3A_36 = vector.broadcast %select_n3A_35 : i32 to vector<1024x128xi32>
    %rem3A_37 = arith.remsi %iota3A, %rem3A_36 : vector<1024x128xi32>
    %ne3A_38 = arith.constant 0 : i32
    %ne3A_39 = vector.broadcast %ne3A_38 : i32 to vector<1024x128xi32>
    %ne3A_40 = arith.cmpi ne, %rem3A_37, %ne3A_39 : vector<1024x128xi32>
    %lt3A = arith.constant 0 : i32
    %lt3A_41 = vector.broadcast %lt3A : i32 to vector<1024x128xi32>
    %lt3A_42 = arith.cmpi slt, %rem3A_37, %lt3A_41 : vector<1024x128xi32>
    %lt3A_43 = arith.constant 0 : i32
    %lt3A_44 = arith.cmpi slt, %select_n3A_35, %lt3A_43 : i32
    %ne3A_45 = vector.broadcast %lt3A_44 : i1 to vector<1024x128xi1>
    %ne3A_46 = vector.broadcast %ne3A_45 : vector<1024x128xi1> to vector<1024x128xi1>
    %ne3A_47 = arith.xori %lt3A_42, %ne3A_46 : vector<1024x128xi1>
    %and3A_48 = arith.andi %ne3A_47, %ne3A_40 : vector<1024x128xi1>
    %add3A = vector.broadcast %select_n3A_35 : i32 to vector<1024x128xi32>
    %add3A_49 = arith.addi %rem3A_37, %add3A : vector<1024x128xi32>
    %select_n3A_50 = arith.select %and3A_48, %add3A_49, %rem3A_37 : vector<1024x128xi1>, vector<1024x128xi32>
    %shift_left3A = arith.constant 1 : i32
    %shift_left3A_51 = vector.broadcast %shift_left3A : i32 to vector<1024x128xi32>
    %shift_left3A_52 = arith.shli %shift_left3A_51, %select_n3A_50 : vector<1024x128xi32>
    %jit3A_53 = arith.constant 0 : i32
    %broadcast_in_dim3A = vector.broadcast %jit3A_53 : i32 to vector<1024x128xi32>
    %select_n3A_54 = arith.select %eq3A, %shift_left3A_52, %broadcast_in_dim3A : vector<1024x128xi1>, vector<1024x128xi32>
    %convert_element_type3A_55 = arith.sitofp %select_n3A_54 : vector<1024x128xi32> to vector<1024x128xf32>
    %dot_general3A = arith.constant dense<0.000000e+00> : vector<512x128xf32>
    %dot_general3A_56 = tpu.matmul %convert_element_type3A_6, %convert_element_type3A_55, %dot_general3A {dimension_numbers = #tpu.dot_dimension_numbers<[1], [0], [0], [1], [0, 0, 1, 1], [], []>, transpose_lhs_hint = false} : vector<512x1024xf32>, vector<1024x128xf32>, vector<512x128xf32> -> vector<512x128xf32>
    %convert_element_type3A_57 = arith.fptosi %dot_general3A_56 : vector<512x128xf32> to vector<512x128xi32>
    %convert_element_type3A_58 = arith.trunci %convert_element_type3A_57 : vector<512x128xi32> to vector<512x128xi8>
    %swap3A = arith.constant 0 : index
    %swap3A_59 = arith.constant 0 : index
    %swap3A_60 = vector.load %arg3[%swap3A, %swap3A_59] : memref<512x128xi8, #tpu.memory_space<vmem>>, vector<512x128xi8>
    tpu.vector_store %arg3[%swap3A, %swap3A_59], %convert_element_type3A_58 {strides = array<i32>} : memref<512x128xi8, #tpu.memory_space<vmem>>, vector<512x128xi8>,
    return
  }
  func.func @transform_0(%arg0: i32) -> (i32, i32) {
    %c0_i32 = arith.constant 0 : i32
    %c0_i32_0 = arith.constant 0 : i32
    %c0_i32_1 = arith.constant 0 : i32
    return %c0_i32, %c0_i32_0 : i32, i32
  }
  func.func @transform_1(%arg0: i32) -> (i32, i32) {
    %c0_i32 = arith.constant 0 : i32
    %c0_i32_0 = arith.constant 0 : i32
    return %arg0, %c0_i32 : i32, i32
  }
  func.func @transform_2(%arg0: i32) -> (i32, i32) {
    %c0_i32 = arith.constant 0 : i32
    %c0_i32_0 = arith.constant 0 : i32
    return %arg0, %c0_i32 : i32, i32
  }
}

</mosaic_0001>

<sc_bundles>
// kernel: kernel.5.cloned.1.call-start
scs
__scs_entry_jumppad:
0x0: {  	(pc) =	sbr.rel $0x88, $3  }
0x1: {  	(tag) =	ssettag $0x0;
	lr =	simm.s32 $0x1  }
0x2: {  	[smem:$0x3F9E] =	sst lr;
	_ =	strace $0xD0000000  }
0x3: {  	_ = 	snop  }
0x4: {  	_ = 	snop  }
0x5: {  	_ = 	snop  }
0x6: {  	_ = 	snop  }
0x7: {  	_ = 	snop  }
__scs_overlays_trampoline_lowered:
0x8: {  	[smem:$0x3FAD] =	sst s0  }
0x9: {  	[smem:$0x3FAE] =	sst s1  }
0xa: {  	[smem:$0x3FAF] =	sst s2  }
0xb: {  	[smem:$0x3FB0] =	sst s3  }
0xc: {  	[smem:$0x3FB1] =	sst s4  }
0xd: {  	[smem:$0x3FB2] =	sst s5  }
0xe: {  	[smem:$0x3FB3] =	sst s6  }
0xf: {  	[smem:$0x3FB4] =	sst s7  }
0x10: {  	[smem:$0x3FB5] =	sst s8  }
0x11: {  	[smem:$0x3FB6] =	sst s9;
	s0 =	simm.s32 @!p0 $0x0  }
0x12: {  	s1 =	sld [smem:$0x3F9C];
	s0 =	simm.s32 @p0 $0x1  }
0x13: {  	[smem:$0x3FB7] =	sst s0;
	s0 =	simm.s32 @!p1 $0x0  }
0x14: {  	s2 =	sld [smem:$0x3F9B];
	s0 =	simm.s32 @p1 $0x1  }
0x15: {  	[smem:$0x3FB8] =	sst s0;
	s0 =	simm.s32 @!p2 $0x0  }
0x16: {  	s3 =	sld [smem:$0x3FDB];
	s0 =	simm.s32 @p2 $0x1  }
0x17: {  	s4 =	simm.s32 $0x1BF5;
	[smem:$0x3FBA] =	sst s0  }
0x18: {  	s0 =	sld [smem:$0x3F9D];
	_ =	swait.ge [sflag:s4], $0x0  }
0x19: {  	s7 =	sld [smem:$0x3F9E]  }
0x1a: {  	s8 =	sadd.s32 $0xFFFFE003, lr  }
0x1b: {  	s9 =	sadd.s32 $0xFFFFFEF7, lr;
	s5 =	simm.s32 $0xFFFFFFFF;
	p2 =	slt.u32 s8, $0xFFFFF086  }
0x1c: {  	p1 =	slt.u32 s9, $0xF7A;
	s5 =	simm.s32 @!p2 $0x0  }
0x1d: {  	s5 =	simm.s32 @p1 $0x1;
	p0 =	seq.s32 s7, s2  }
0x1e: {  	s7 =	smul.u32 @!p0 $0xF7A, s2;
	p2 =	seq.s32 @!p0 s5, $0x0  }
0x1f: {  	s9 =	smul.u32 $0xF7A, s1;
	s8 =	simm.s32 @!p0 $0x1BF5;
	p2 =	por !p2, p0  }
0x20: {  	[sflag:s8] =	ssyncset.s32 @!p0 $0xFFFFF086;
	s6 =	sadd.s32 @!p0 s3, s7;
	s7 =	simm.s32 @!p0 $0x108  }
0x21: {  	s3 =	sadd.s32 s3, s9;
	s6 =	sadd.s32 @!p0 $0x88, s6;
	s7 =	simm.s32 @p2 $0x1082  }
0x22: {  	[simem:s7], [sflag:s8] =	dma.local @!p0 [hbm:s6], $0xF7A  }
0x23: {  	s9 =	sor.u32 $0xD0000000, s2;
	s6 =	simm.s32 $0x108;
	_ =	swait.ge @!p0 [sflag:s8], $0x0  }
0x24: {  	s3 =	sadd.s32 $0x88, s3;
	s6 =	simm.s32 @!p1 $0x1082;
	[sflag:s4] =	ssyncset.s32 $0xFFFFF086  }
0x25: {  	[simem:s6], [sflag:s4] =	dma.local [hbm:s3], $0xF7A  }
0x26: {  	[smem:$0x3F9E] =	sst s1;
	(tag) =	ssettag s2;
	_ =	strace s9  }
0x27: {  	s1 =	sld [smem:$0x3FAE]  }
0x28: {  	s2 =	sld [smem:$0x3FAF]  }
0x29: {  	s4 =	sld [smem:$0x3FB1]  }
0x2a: {  	p0 =	seq.s32 s5, $0x0;
	s5 =	sld [smem:$0x3FB2]  }
0x2b: {  	s6 =	sld [smem:$0x3FB3]  }
0x2c: {  	s7 =	sld [smem:$0x3FB4]  }
0x2d: {  	s3 =	simm.s32 $0x108;
	s8 =	sld [smem:$0x3FB5]  }
0x2e: {  	s3 =	simm.s32 @!p0 $0x1082;
	s9 =	sld [smem:$0x3FB6]  }
0x2f: {  	lr =	sadd.s32 s0, s3;
	s0 =	sld [smem:$0x3FAD]  }
0x30: {  	s3 =	sld [smem:$0x3FB0]  }
0x31: {  	[smem:$0x3FB9] =	sst s10  }
0x32: {  	s10 =	sld [smem:$0x3FB7];
	_ =	sdelay $0x3  }
0x33: {  	p0 =	seq.s32 s10, $0x1;
	s10 =	sld [smem:$0x3FB9];
	_ =	sdelay $0x3  }
0x34: {  	[smem:$0x3FB9] =	sst s10  }
0x35: {  	s10 =	sld [smem:$0x3FB8];
	_ =	sdelay $0x3  }
0x36: {  	p1 =	seq.s32 s10, $0x1;
	s10 =	sld [smem:$0x3FB9];
	_ =	sdelay $0x3  }
0x37: {  	[smem:$0x3FB9] =	sst s10  }
0x38: {  	s10 =	sld [smem:$0x3FBA]  }
0x39: {  	_ = 	snop;
	(pc) =	sbr.ind lr, $3  }
0x3a: {  	_ = 	snop  }
0x3b: {  	_ = 	snop  }
0x3c: {  	p2 =	seq.s32 s10, $0x1;
	s10 =	sld [smem:$0x3FB9]  }
0x3d: {  	_ =	shalt  }
0x3e: {  	_ =	shalt  }
0x3f: {  	_ =	shalt  }
0x40: {  	_ =	shalt  }
0x41: {  	_ =	shalt  }
0x42: {  	_ =	shalt  }
0x43: {  	_ =	shalt  }
0x44: {  	_ =	shalt  }
0x45: {  	_ =	shalt  }
0x46: {  	_ =	shalt  }
0x47: {  	_ =	shalt  }
0x48: {  	_ =	shalt  }
0x49: {  	_ =	shalt  }
0x4a: {  	_ =	shalt  }
0x4b: {  	_ =	shalt  }
0x4c: {  	_ =	shalt  }
0x4d: {  	_ =	shalt  }
0x4e: {  	_ =	shalt  }
0x4f: {  	_ =	shalt  }
0x50: {  	_ =	shalt  }
0x51: {  	_ =	shalt  }
0x52: {  	_ =	shalt  }
0x53: {  	_ =	shalt  }
0x54: {  	_ =	shalt  }
0x55: {  	_ =	shalt  }
0x56: {  	_ =	shalt  }
0x57: {  	_ =	shalt  }
0x58: {  	_ =	shalt  }
0x59: {  	_ =	shalt  }
0x5a: {  	_ =	shalt  }
0x5b: {  	_ =	shalt  }
0x5c: {  	_ =	shalt  }
0x5d: {  	_ =	shalt  }
0x5e: {  	_ =	shalt  }
0x5f: {  	_ =	shalt  }
0x60: {  	_ =	shalt  }
0x61: {  	_ =	shalt  }
0x62: {  	_ =	shalt  }
0x63: {  	_ =	shalt  }
0x64: {  	_ =	shalt  }
0x65: {  	_ =	shalt  }
0x66: {  	_ =	shalt  }
0x67: {  	_ =	shalt  }
0x68: {  	_ =	shalt  }
0x69: {  	_ =	shalt  }
0x6a: {  	_ =	shalt  }
0x6b: {  	_ =	shalt  }
0x6c: {  	_ =	shalt  }
0x6d: {  	_ =	shalt  }
0x6e: {  	_ =	shalt  }
0x6f: {  	_ =	shalt  }
0x70: {  	_ =	shalt  }
0x71: {  	_ =	shalt  }
0x72: {  	_ =	shalt  }
0x73: {  	_ =	shalt  }
0x74: {  	_ =	shalt  }
0x75: {  	_ =	shalt  }
0x76: {  	_ =	shalt  }
0x77: {  	_ =	shalt  }
0x78: {  	_ =	shalt  }
0x79: {  	_ =	shalt  }
0x7a: {  	_ =	shalt  }
0x7b: {  	_ =	shalt  }
0x7c: {  	_ =	shalt  }
0x7d: {  	_ =	shalt  }
0x7e: {  	_ =	shalt  }
0x7f: {  	_ =	shalt  }
0x80: {  	_ =	shalt  }
0x81: {  	_ =	shalt  }
0x82: {  	_ =	shalt  }
0x83: {  	_ =	shalt  }
0x84: {  	_ =	shalt  }
0x85: {  	_ =	shalt  }
0x86: {  	_ =	shalt  }
0x87: {  	_ =	shalt  }
.Lfunc_end0:
.L_simem_size_0:
called_computation_lowered:
.L_overlay_start_0:
0x88: {  	s2 =	sld [smem:$0x3FD9]  }
0x89: {  	s3 =	sld [smem:$0x3FFE];
	_ =	sdelay $0x1  }
0x8a: {  	s1 =	srdreg.scid  }
0x8b: {  	s0 =	sand.u32 $0x1, s1  }
0x8c: {  	s16 =	sshll.u32 s0, $0xA;
	s2 =	sadd.s32 s3, s2  }
0x8d: {  	s2 =	sadd.s32 s2, s16  }
0x8e: {  	[smem:$0x3FC5] =	sst s2  }
0x8f: {  	_ = 	snop  }
0x90: {  	(tm) =	ssettm $0x1  }
0x91: {  	s17 =	sld [smem:$0x3FFB];
	_ =	sdelay $0x3  }
0x92: {  	_ =	strace s17  }
0x93: {  	s2 =	sld [smem:$0x3FFC];
	_ =	sdelay $0x3  }
0x94: {  	_ =	strace s2  }
0x95: {  	s2 =	sld [smem:$0x3FFD];
	_ =	sdelay $0x3  }
0x96: {  	_ =	strace s2  }
0x97: {  	_ =	strace $0x8FFFFFFF  }
0x98: {  	s18 =	sld [smem:$0x3FDB];
	_ =	sdelay $0x1  }
0x99: {  	s19 =	simm.s32 $_scs_section_size  }
0x9a: {  	s4 =	simm.s32 $_size__tile_overlayer_lowered;
	s5 =	simm.s32 $_tile_overlayer_lowered  }
0x9b: {  	s22 =	simm.s32 $0x1BFF;
	s21 =	sshll.u32 s5, $0x1;
	s2 =	sadd.s32 s19, s18  }
0x9c: {  	s6 =	simm.s32 $0x0;
	s20 =	sshll.u32 s4, $0x1;
	s4 =	sadd.s32 s21, s2  }
0x9d: {  	[timem:s6], [sflag:s22] =	dma.local [hbm:s4], s20  }
0x9e: {  	_ =	swait.ge [sflag:s22], s20  }
0x9f: {  	s3 =	ssub.s32 $0x0, s20;
	[sflag:s22] =	ssyncset.done $0x0  }
0xa0: {  	[sflag:s22] =	ssyncadd.s32 s3;
	_ =	sdelay $0x1  }
0xa1: {  	s23 =	simm.s32 $0x1B8B  }
0xa2: {  	_ =	swait.ge [sflag:s23], $0x1  }
0xa3: {  	[sflag:s23] =	ssyncset.done $0x0  }
0xa4: {  	s25 =	simm.s32 $0x1B8E;
	s24 =	sld [smem:$0x3FFE];
	[sflag:s23] =	ssyncadd.s32 $0xFFFFFFFF  }
0xa5: {  	s26 =	simm.s32 $execute0_lowered;
	[smem:$0x3FD2] =	sst s25  }
0xa6: {  	s4 =	sshll.u32 s26, $0x1;
	_ =	strace $0x80000046;
	[dreg:$0x1] =	wrdreg $0xFFFFFFFF  }
0xa7: {  	s28 =	simm.s32 $_size_execute0_lowered;
	s2 =	sadd.s32 s2, s4;
	[dreg:$0x0] =	wrdreg $0x0  }
0xa8: {  	s4 =	sshll.u32 s28, $0x1;
	[dreg:$0x2] =	wrdreg s2  }
0xa9: {  	[dreg:$0x3] =	wrdreg s4  }
0xaa: {  	[dreg:$0x4] =	wrdreg $0xC0  }
0xab: {  	_ =	task [dreg:s6], $0x5FFFF  }
0xac: {  	[dreg:$0x1] =	wrdreg $0xFFFFFFFF  }
0xad: {  	[dreg:$0x0] =	wrdreg $0x60  }
0xae: {  	[dreg:$0x2] =	wrdreg s24  }
0xaf: {  	[dreg:$0x3] =	wrdreg $0x9  }
0xb0: {  	_ =	task.clear_ibuf [dreg:s6], $0x4FFFF;
	_ =	strace $0x90000046  }
0xb1: {  	s29 =	simm.s32 $0x9;
	_ =	strace $0x80000048  }
0xb2: {  	_ =	swait.ge [sflag:s29], $0x1  }
0xb3: {  	[sflag:s29] =	ssyncadd.s32 $0xFFFFFFFF  }
0xb4: {  	_ =	strace $0x90000048  }
0xb5: {  	_ =	sfence  }
0xb6: {  	s30 =	sld [smem:$0x0];
	_ =	sdelay $0x2  }
0xb7: {  	s31 =	sshll.u32 s1, $0xD;
	s1 =	sshrl.u32 s1, $0x2  }
0xb8: {  	s3 =	sand.u32 $0x4000, s31;
	s1 =	sadd.s32 s1, s30  }
0xb9: {  	s0 =	sor.u32 s3, s0;
	s1 =	sshll.u32 s1, $0x11  }
0xba: {  	s0 =	sor.u32 s1, s0  }
0xbb: {  	s0 =	sadd.s32 $0x8F2B, s0  }
0xbc: {  	[sflag:s0] =	ssyncadd.remote.s32 $0x1  }
0xbd: {  	_ =	sfence.sel $0xFFFF  }
0xbe: {  	[dreg:$0x0] =	wrdreg $0xFFFFFFFF;
	(pc) =	sbr.abs _section_cstart, $3  }
0xbf: {  	[dreg:$0x1] =	wrdreg $0xFFFFFFFF  }
0xc0: {  	_ =	task.clear_ibuf [dreg:s6], $0x2FFFF;
	_ =	strace $0x9FFFFFFF  }
0xc1: {  	(tm) =	ssettm $0x7FFFFFFF  }
tec
execute0_lowered:
.L_overlay_start_1:
0x0: {  	(tag) =	ssettag $0x1  }
0x1: {  	s0 =	rddreg [dreg:$0x0];
	s1 =	simm.s32 $0x0  }
0x2: {  	s2 =	srdreg.scid;
	s11 =	stileid.u32;
	s28 =	simm.s32 $0x5  }
0x3: {  	s29 =	simm.s32 $0x4000;
	s30 =	simm.s32 $0xC000;
	s31 =	simm.s32 $0x1  }
0x4: {  	[smem:$0x7FF] =	sst s1;
	s3 =	sadd.s32 $0x600, s0;
	s2 =	sand.u32 $0x1, s2  }
0x5: {  	s4 =	sadd.s32 $0x40600, s0;
	s5 =	sadd.s32 $0x80600, s0;
	s7 =	sshll.u32 s11, $0xF  }
0x6: {  	p0 =	sgt.u32 s11, $0x1;
	_ =	strace $0x80000047;
	s6 =	ssub.s32 $0x2, s2  }
0x7: {  	s8 =	sshll.u32 s2, $0x13;
	s7 =	sadd.s32 s5, s7;
	s2 =	sshll.u32 s2, $0x1  }
0x8: {  	s26 =	sshrl.u32 s6, $0x1;
	s15 =	sadd.s32 s8, s7;
	s2 =	sadd.s32 s11, s2  }
0x9: {  	s11 =	simm.s32 $0x4;
	s0 =	ssub.s32 s6, s26;
	s9 =	sshll.u32 s2, $0x15  }
0xa: {  	s7 =	sshll.u32 s2, $0x13;
	s2 =	sshll.u32 s2, $0x10;
	s19 =	sadd.s32 $0x800, s15  }
0xb: {  	s20 =	sadd.s32 $0x1000, s15;
	s21 =	sadd.s32 $0x1800, s15;
	s22 =	sadd.s32 $0x2000, s15  }
0xc: {  	s23 =	sadd.s32 $0x2800, s15;
	s24 =	sadd.s32 $0x3000, s15;
	s25 =	sadd.s32 $0x3800, s15  }
0xd: {  	s26 =	sadd.s32 $0x4000, s15;
	s8 =	sadd.s32 $0x5800, s15;
	[dreg:$0x4] =	wrdreg s15  }
0xe: {  	s16 =	sadd.s32 $0x5000, s15;
	s12 =	sadd.s32 $0x6000, s15;
	[dreg:$0x6] =	wrdreg s8  }
0xf: {  	s13 =	sadd.s32 $0x6800, s15;
	s14 =	sadd.s32 $0x7000, s15;
	[dreg:$0x7] =	wrdreg s12  }
0x10: {  	s17 =	sadd.s32 $0x7800, s15;
	s6 =	sadd.s32 s3, s2;
	[dreg:$0x8] =	wrdreg s13  }
.Ltmp0:
0x11: {  	s2 =	sadd.s32 s4, s2;
	[dreg:$0x9] =	wrdreg s14;
	(pc) =	sbr.rel .LBB2_1-.Ltmp0, $4  }
0x12: {  	s10 =	sor.u32 $0x8000, s7;
	s18 =	smax.u32 s0, $0x1;
	[dreg:$0xa] =	wrdreg s17  }
0x13: {  	s0 =	simm.s32 $0x3;
	s8 =	simm.s32 $0x10000;
	[dreg:$0x5] =	wrdreg s16  }
0x14: {  	v0 =	vmov s9;
	s9 =	simm.s32 $0x2;
	s12 =	simm.s32 $0x0;
	[dreg:$0x2] =	wrdreg s6  }
0x15: {  	v1 =	vimm.f32 $-1.000000000e+00;
	[dreg:$0x3] =	wrdreg s2;
	s6 =	sadd.s32 $0x4800, s15;
	s2 =	simm.s32 $0x8000  }
.LBB2_11:
0x16: {  	[hbm4b:s5+s29] =	stream.indirect.scatter [tilespmem:s8], [sflag:$0x5], $0x1, s2, s29, $0xb8;
	[tilespmem:$0x14000] =	vst v63  }
0x17: {  	_ =	swait.ge [sflag:s28], $0x4000  }
0x18: {  	[sflag:s28] =	ssyncset.done $0x0;
	s15 =	rddreg [dreg:$0x4]  }
0x19: {  	s16 =	rddreg [dreg:$0x5];
	[sflag:s28] =	ssyncadd.s32 $0xFFFFC000  }
.LBB2_12:
0x1a: {  	s12 =	sadd.s32 $0x1, s12  }
0x1b: {  	p1 =	sne.s32 s12, s18  }
.Ltmp1:
0x1c: {  	_ = 	snop;
	(pc) =	sbr.rel @!p1 .LBB2_13-.Ltmp1, $1  }
0x1d: {  	_ =	sdelay $0x3  }
.LBB2_1:
0x1e: {  	s13 =	simm.s32 $0x40  }
0x1f: {  	[tilespmem:s13+$0xFFFFFFC0] =	vst v1  }
0x20: {  	[tilespmem:s13+$0x30] =	vst v1  }
0x21: {  	[tilespmem:s13+$0x20] =	vst v1  }
0x22: {  	[tilespmem:s13+$0x10] =	vst v1  }
0x23: {  	[tilespmem:s13+$0x0] =	vst v1  }
0x24: {  	[tilespmem:s13+$0xFFFFFFF0] =	vst v1  }
0x25: {  	s14 =	simm.s32 $0x0;
	[tilespmem:s13+$0xFFFFFFE0] =	vst v1  }
.LBB2_2:
0x26: {  	s14 =	sadd.s32 $0x8, s14;
	[tilespmem:s13+$0xFFFFFFD0] =	vst v1;
	s13 =	sadd.s32 $0x80, s13  }
0x27: {  	[tilespmem:s13+$0xFFFFFFC0] =	vst v1;
	p1 =	slt.u32 s14, $0x3F8  }
0x28: {  	[tilespmem:s13+$0x30] =	vst v1  }
.Ltmp2:
0x29: {  	[tilespmem:s13+$0x20] =	vst v1;
	(pc) =	sbr.rel @p1 .LBB2_2-.Ltmp2, $4  }
0x2a: {  	[tilespmem:s13+$0x10] =	vst v1  }
0x2b: {  	[tilespmem:s13+$0x0] =	vst v1  }
0x2c: {  	[tilespmem:s13+$0xFFFFFFF0] =	vst v1  }
0x2d: {  	[tilespmem:s13+$0xFFFFFFE0] =	vst v1  }
0x2e: {  	[tilespmem:s13+$0xFFFFFFD0] =	vst v1  }
0x2f: {  	[hbm4b:s15+s1] =	stream.linear.scatter [tilespmem:s1], [sflag:$0x5], $0x4000, $0x38;
	[tilespmem:$0x14000] =	vst v63  }
0x30: {  	_ = 	snop  }
0x31: {  	[hbm4b:s19+s1] =	stream.linear.scatter [tilespmem:s1], [sflag:$0x5], $0x4000, $0x38;
	[tilespmem:$0x14000] =	vst v63  }
0x32: {  	_ = 	snop  }
0x33: {  	[hbm4b:s20+s1] =	stream.linear.scatter [tilespmem:s1], [sflag:$0x5], $0x4000, $0x38;
	[tilespmem:$0x14000] =	vst v63  }
0x34: {  	_ = 	snop  }
0x35: {  	[hbm4b:s21+s1] =	stream.linear.scatter [tilespmem:s1], [sflag:$0x5], $0x4000, $0x38;
	[tilespmem:$0x14000] =	vst v63  }
0x36: {  	_ = 	snop  }
0x37: {  	[hbm4b:s22+s1] =	stream.linear.scatter [tilespmem:s1], [sflag:$0x5], $0x4000, $0x38;
	[tilespmem:$0x14000] =	vst v63  }
0x38: {  	_ = 	snop  }
0x39: {  	[hbm4b:s23+s1] =	stream.linear.scatter [tilespmem:s1], [sflag:$0x5], $0x4000, $0x38;
	[tilespmem:$0x14000] =	vst v63  }
0x3a: {  	_ = 	snop  }
0x3b: {  	[hbm4b:s24+s1] =	stream.linear.scatter [tilespmem:s1], [sflag:$0x5], $0x4000, $0x38;
	[tilespmem:$0x14000] =	vst v63  }
0x3c: {  	_ = 	snop  }
0x3d: {  	[hbm4b:s25+s1] =	stream.linear.scatter [tilespmem:s1], [sflag:$0x5], $0x4000, $0x38;
	[tilespmem:$0x14000] =	vst v63  }
0x3e: {  	_ = 	snop  }
0x3f: {  	[hbm4b:s26+s1] =	stream.linear.scatter [tilespmem:s1], [sflag:$0x5], $0x4000, $0x38;
	[tilespmem:$0x14000] =	vst v63  }
0x40: {  	_ = 	snop  }
0x41: {  	[hbm4b:s6+s1] =	stream.linear.scatter [tilespmem:s1], [sflag:$0x5], $0x4000, $0x38;
	[tilespmem:$0x14000] =	vst v63  }
0x42: {  	_ = 	snop  }
0x43: {  	[hbm4b:s16+s1] =	stream.linear.scatter [tilespmem:s1], [sflag:$0x5], $0x4000, $0x38;
	[tilespmem:$0x14000] =	vst v63  }
0x44: {  	s17 =	rddreg [dreg:$0x6]  }
0x45: {  	[hbm4b:s17+s1] =	stream.linear.scatter [tilespmem:s1], [sflag:$0x5], $0x4000, $0x38;
	[tilespmem:$0x14000] =	vst v63  }
0x46: {  	s14 =	rddreg [dreg:$0x7]  }
0x47: {  	[hbm4b:s14+s1] =	stream.linear.scatter [tilespmem:s1], [sflag:$0x5], $0x4000, $0x38;
	[tilespmem:$0x14000] =	vst v63  }
0x48: {  	s17 =	rddreg [dreg:$0x8]  }
0x49: {  	[hbm4b:s17+s1] =	stream.linear.scatter [tilespmem:s1], [sflag:$0x5], $0x4000, $0x38;
	[tilespmem:$0x14000] =	vst v63  }
0x4a: {  	s14 =	rddreg [dreg:$0x9]  }
0x4b: {  	[hbm4b:s14+s1] =	stream.linear.scatter [tilespmem:s1], [sflag:$0x5], $0x4000, $0x38;
	[tilespmem:$0x14000] =	vst v63  }
0x4c: {  	s17 =	rddreg [dreg:$0xa]  }
0x4d: {  	[hbm4b:s17+s1] =	stream.linear.scatter [tilespmem:s1], [sflag:$0x5], $0x4000, $0x38;
	[tilespmem:$0x14000] =	vst v63  }
0x4e: {  	_ =	swait.ge [sflag:s28], $0x4000  }
0x4f: {  	[sflag:s28] =	ssyncset.done $0x0  }
0x50: {  	[sflag:s28] =	ssyncadd.s32 $0xFFFFC000  }
0x51: {  	_ =	swait.ge [sflag:s28], $0x4000  }
0x52: {  	[sflag:s28] =	ssyncset.done $0x0  }
0x53: {  	[sflag:s28] =	ssyncadd.s32 $0xFFFFC000  }
0x54: {  	_ =	swait.ge [sflag:s28], $0x4000  }
0x55: {  	[sflag:s28] =	ssyncset.done $0x0  }
0x56: {  	[sflag:s28] =	ssyncadd.s32 $0xFFFFC000  }
0x57: {  	_ =	swait.ge [sflag:s28], $0x4000  }
0x58: {  	[sflag:s28] =	ssyncset.done $0x0  }
0x59: {  	[sflag:s28] =	ssyncadd.s32 $0xFFFFC000  }
0x5a: {  	_ =	swait.ge [sflag:s28], $0x4000  }
0x5b: {  	[sflag:s28] =	ssyncset.done $0x0  }
0x5c: {  	[sflag:s28] =	ssyncadd.s32 $0xFFFFC000  }
0x5d: {  	_ =	swait.ge [sflag:s28], $0x4000  }
0x5e: {  	[sflag:s28] =	ssyncset.done $0x0  }
0x5f: {  	[sflag:s28] =	ssyncadd.s32 $0xFFFFC000  }
0x60: {  	_ =	swait.ge [sflag:s28], $0x4000  }
0x61: {  	[sflag:s28] =	ssyncset.done $0x0  }
0x62: {  	[sflag:s28] =	ssyncadd.s32 $0xFFFFC000  }
0x63: {  	_ =	swait.ge [sflag:s28], $0x4000  }
0x64: {  	[sflag:s28] =	ssyncset.done $0x0  }
0x65: {  	[sflag:s28] =	ssyncadd.s32 $0xFFFFC000  }
0x66: {  	_ =	swait.ge [sflag:s28], $0x4000  }
0x67: {  	[sflag:s28] =	ssyncset.done $0x0  }
0x68: {  	[sflag:s28] =	ssyncadd.s32 $0xFFFFC000  }
0x69: {  	_ =	swait.ge [sflag:s28], $0x4000  }
0x6a: {  	[sflag:s28] =	ssyncset.done $0x0  }
0x6b: {  	[sflag:s28] =	ssyncadd.s32 $0xFFFFC000  }
0x6c: {  	_ =	swait.ge [sflag:s28], $0x4000  }
0x6d: {  	[sflag:s28] =	ssyncset.done $0x0  }
0x6e: {  	[sflag:s28] =	ssyncadd.s32 $0xFFFFC000  }
0x6f: {  	_ =	swait.ge [sflag:s28], $0x4000  }
0x70: {  	[sflag:s28] =	ssyncset.done $0x0  }
0x71: {  	[sflag:s28] =	ssyncadd.s32 $0xFFFFC000  }
0x72: {  	_ =	swait.ge [sflag:s28], $0x4000  }
0x73: {  	[sflag:s28] =	ssyncset.done $0x0  }
0x74: {  	[sflag:s28] =	ssyncadd.s32 $0xFFFFC000  }
0x75: {  	_ =	swait.ge [sflag:s28], $0x4000  }
0x76: {  	[sflag:s28] =	ssyncset.done $0x0  }
0x77: {  	[sflag:s28] =	ssyncadd.s32 $0xFFFFC000  }
0x78: {  	_ =	swait.ge [sflag:s28], $0x4000  }
0x79: {  	[sflag:s28] =	ssyncset.done $0x0  }
0x7a: {  	[sflag:s28] =	ssyncadd.s32 $0xFFFFC000  }
.Ltmp3:
0x7b: {  	_ =	swait.ge [sflag:s28], $0x4000;
	(pc) =	sbr.rel @p0 .LBB2_12-.Ltmp3, $3  }
0x7c: {  	[sflag:s28] =	ssyncset.done $0x0  }
0x7d: {  	[sflag:s28] =	ssyncadd.s32 $0xFFFFC000  }
0x7e: {  	[bflag:$0x0] =	sbarrier.arrive $0xFFFF;
	_ =	sdelay $0x1  }
0x7f: {  	s13 =	simm.s32 $0x0;
	s14 =	rddreg [dreg:$0x2]  }
0x80: {  	[tilespmem:s29], [sflag:$0x1] =	stream.linear.gather [hbm4b:s14+s13], $0x4000, $0x38;
	[tilespmem:$0x14000] =	vst v63  }
0x81: {  	s17 =	rddreg [dreg:$0x3]  }
0x82: {  	[tilespmem:s30], [sflag:$0x3] =	stream.linear.gather [hbm4b:s17+s13], $0x4000, $0x38;
	[tilespmem:$0x14000] =	vst v63  }
.LBB2_5:
0x83: {  	_ =	swait.ge [sflag:s31], $0x4000  }
0x84: {  	[sflag:s31] =	ssyncset.done $0x0  }
0x85: {  	[sflag:s31] =	ssyncadd.s32 $0xFFFFC000  }
0x86: {  	_ =	swait.ge [sflag:s0], $0x4000  }
0x87: {  	[sflag:s0] =	ssyncset.done $0x0  }
0x88: {  	s15 =	simm.s32 $0x4040;
	[sflag:s0] =	ssyncadd.s32 $0xFFFFC000  }
0x89: {  	v4 =	vld [tilespmem:s15+$0xFFFFFFC0]  }
0x8a: {  	v5 =	vld [tilespmem:s15+$0xFFFFFFD0]  }
0x8b: {  	v6 =	vld [tilespmem:s15+$0xFFFFFFE0]  }
0x8c: {  	v3 =	vld [tilespmem:s15+$0x0]  }
0x8d: {  	v2 =	vld [tilespmem:s15+$0x10]  }
0x8e: {  	v7 =	vadd.s32 v0, v4;
	v4 =	vld [tilespmem:s15+$0x20]  }
0x8f: {  	[tilespmem:s15+$0xFFFFFFC0] =	vst v7;
	v7 =	vadd.s32 v0, v5;
	v5 =	vld [tilespmem:s15+$0x30]  }
0x90: {  	s14 =	simm.s32 $0x0;
	s16 =	simm.s32 $0x40C0;
	[tilespmem:s15+$0xFFFFFFD0] =	vst v7;
	v7 =	vadd.s32 v0, v6;
	v6 =	vld [tilespmem:s15+$0xFFFFFFF0]  }
.LBB2_6:
0x91: {  	v8 =	vld [tilespmem:s16+$0xFFFFFFC0];
	[tilespmem:s15+$0xFFFFFFE0] =	vst v7;
	v3 =	vadd.s32 v0, v3  }
0x92: {  	s14 =	sadd.s32 $0x8, s14;
	v7 =	vld [tilespmem:s16+$0xFFFFFFD0];
	[tilespmem:s15+$0x0] =	vst v3;
	v2 =	vadd.s32 v0, v2  }
0x93: {  	p1 =	slt.u32 s14, $0x3F8;
	v9 =	vld [tilespmem:s16+$0xFFFFFFE0];
	[tilespmem:s15+$0x10] =	vst v2;
	v2 =	vadd.s32 v0, v4  }
.Ltmp4:
0x94: {  	v3 =	vld [tilespmem:s16+$0x0];
	[tilespmem:s15+$0x20] =	vst v2;
	v4 =	vadd.s32 v0, v5;
	(pc) =	sbr.rel @p1 .LBB2_6-.Ltmp4, $4  }
0x95: {  	v2 =	vld [tilespmem:s16+$0x10];
	v5 =	vadd.s32 v0, v6;
	[tilespmem:s15+$0x30] =	vst v4  }
0x96: {  	v6 =	vadd.s32 v0, v8;
	v4 =	vld [tilespmem:s16+$0x20];
	[tilespmem:s15+$0xFFFFFFF0] =	vst v5;
	s15 =	smov.u32 s16  }
0x97: {  	[tilespmem:s16+$0xFFFFFFC0] =	vst v6;
	v6 =	vadd.s32 v0, v7;
	v5 =	vld [tilespmem:s16+$0x30]  }
0x98: {  	s16 =	sadd.s32 $0x80, s16;
	[tilespmem:s15+$0xFFFFFFD0] =	vst v6;
	v7 =	vadd.s32 v0, v9;
	v6 =	vld [tilespmem:s15+$0xFFFFFFF0]  }
0x99: {  	[tilespmem:s15+$0xFFFFFFE0] =	vst v7;
	v3 =	vadd.s32 v0, v3  }
0x9a: {  	[tilespmem:s15+$0x0] =	vst v3;
	v2 =	vadd.s32 v0, v2  }
0x9b: {  	[tilespmem:s15+$0x10] =	vst v2;
	v2 =	vadd.s32 v0, v4  }
0x9c: {  	[tilespmem:s15+$0x20] =	vst v2;
	v2 =	vadd.s32 v0, v5  }
0x9d: {  	s14 =	sshll.u32 s13, $0xF;
	p1 =	seq.s32 s13, $0x0;
	v3 =	vadd.s32 v0, v6;
	[tilespmem:s15+$0x30] =	vst v2  }
0x9e: {  	s16 =	sor.u32 s14, s7;
	[tilespmem:s15+$0xFFFFFFF0] =	vst v3;
	s15 =	simm.s32 @!p1 $0x5  }
0x9f: {  	s16 =	sshrl.u32 s16, $0x3;
	_ =	swait.ge @!p1 [sflag:s15], $0x4000  }
0xa0: {  	s16 =	sor.u32 $0x800, s16;
	[sflag:s15] =	ssyncset.done @!p1 $0x0  }
0xa1: {  	s17 =	sadd.s32 s3, s16;
	[sflag:s15] =	ssyncadd.s32 @!p1 $0xFFFFC000  }
0xa2: {  	[tilespmem:s2], [sflag:$0x2] =	stream.linear.gather [hbm4b:s17+s1], $0x4000, $0x38;
	[tilespmem:$0x14000] =	vst v63  }
0xa3: {  	s17 =	sadd.s32 s4, s16  }
0xa4: {  	[tilespmem:s8], [sflag:$0x4] =	stream.linear.gather [hbm4b:s17+s1], $0x4000, $0x38;
	[tilespmem:$0x14000] =	vst v63  }
0xa5: {  	_ = 	snop  }
0xa6: {  	[hbm4b:s5+s29] =	stream.indirect.scatter [tilespmem:s30], [sflag:$0x5], $0x1, s29, s29, $0xb8;
	[tilespmem:$0x14000] =	vst v63  }
0xa7: {  	_ =	swait.ge [sflag:s9], $0x4000  }
0xa8: {  	[sflag:s9] =	ssyncset.done $0x0  }
0xa9: {  	[sflag:s9] =	ssyncadd.s32 $0xFFFFC000  }
0xaa: {  	_ =	swait.ge [sflag:s11], $0x4000  }
0xab: {  	[sflag:s11] =	ssyncset.done $0x0  }
0xac: {  	s15 =	simm.s32 $0x8040;
	[sflag:s11] =	ssyncadd.s32 $0xFFFFC000  }
0xad: {  	v4 =	vld [tilespmem:s15+$0xFFFFFFC0]  }
0xae: {  	v5 =	vld [tilespmem:s15+$0xFFFFFFD0]  }
0xaf: {  	v6 =	vld [tilespmem:s15+$0xFFFFFFE0]  }
0xb0: {  	v3 =	vld [tilespmem:s15+$0x0]  }
0xb1: {  	v2 =	vld [tilespmem:s15+$0x10]  }
0xb2: {  	v7 =	vadd.s32 v0, v4;
	v4 =	vld [tilespmem:s15+$0x20]  }
0xb3: {  	[tilespmem:s15+$0xFFFFFFC0] =	vst v7;
	v7 =	vadd.s32 v0, v5;
	v5 =	vld [tilespmem:s15+$0x30]  }
0xb4: {  	s16 =	simm.s32 $0x0;
	s17 =	simm.s32 $0x80C0;
	[tilespmem:s15+$0xFFFFFFD0] =	vst v7;
	v7 =	vadd.s32 v0, v6;
	v6 =	vld [tilespmem:s15+$0xFFFFFFF0]  }
.LBB2_8:
0xb5: {  	v8 =	vld [tilespmem:s17+$0xFFFFFFC0];
	[tilespmem:s15+$0xFFFFFFE0] =	vst v7;
	v3 =	vadd.s32 v0, v3  }
0xb6: {  	s16 =	sadd.s32 $0x8, s16;
	v7 =	vld [tilespmem:s17+$0xFFFFFFD0];
	[tilespmem:s15+$0x0] =	vst v3;
	v2 =	vadd.s32 v0, v2  }
0xb7: {  	p1 =	slt.u32 s16, $0x3F8;
	v9 =	vld [tilespmem:s17+$0xFFFFFFE0];
	[tilespmem:s15+$0x10] =	vst v2;
	v2 =	vadd.s32 v0, v4  }
.Ltmp5:
0xb8: {  	v3 =	vld [tilespmem:s17+$0x0];
	[tilespmem:s15+$0x20] =	vst v2;
	v4 =	vadd.s32 v0, v5;
	(pc) =	sbr.rel @p1 .LBB2_8-.Ltmp5, $4  }
0xb9: {  	v2 =	vld [tilespmem:s17+$0x10];
	v5 =	vadd.s32 v0, v6;
	[tilespmem:s15+$0x30] =	vst v4  }
0xba: {  	v6 =	vadd.s32 v0, v8;
	v4 =	vld [tilespmem:s17+$0x20];
	[tilespmem:s15+$0xFFFFFFF0] =	vst v5;
	s15 =	smov.u32 s17  }
0xbb: {  	[tilespmem:s17+$0xFFFFFFC0] =	vst v6;
	v6 =	vadd.s32 v0, v7;
	v5 =	vld [tilespmem:s17+$0x30]  }
0xbc: {  	s17 =	sadd.s32 $0x80, s17;
	[tilespmem:s15+$0xFFFFFFD0] =	vst v6;
	v7 =	vadd.s32 v0, v9;
	v6 =	vld [tilespmem:s15+$0xFFFFFFF0]  }
0xbd: {  	[tilespmem:s15+$0xFFFFFFE0] =	vst v7;
	v3 =	vadd.s32 v0, v3  }
0xbe: {  	[tilespmem:s15+$0x0] =	vst v3;
	v2 =	vadd.s32 v0, v2  }
0xbf: {  	[tilespmem:s15+$0x10] =	vst v2;
	v2 =	vadd.s32 v0, v4  }
0xc0: {  	p1 =	seq.s32 s13, $0xF;
	[tilespmem:s15+$0x20] =	vst v2;
	v2 =	vadd.s32 v0, v5  }
.Ltmp6:
0xc1: {  	v3 =	vadd.s32 v0, v6;
	[tilespmem:s15+$0x30] =	vst v2;
	(pc) =	sbr.rel @p1 .LBB2_11-.Ltmp6, $4  }
0xc2: {  	[tilespmem:s15+$0xFFFFFFF0] =	vst v3  }
0xc3: {  	_ =	swait.ge [sflag:s28], $0x4000  }
0xc4: {  	[sflag:s28] =	ssyncset.done $0x0  }
0xc5: {  	[sflag:s28] =	ssyncadd.s32 $0xFFFFC000  }
0xc6: {  	s14 =	sadd.s32 s14, s10  }
0xc7: {  	s14 =	sshrl.u32 s14, $0x3  }
0xc8: {  	s15 =	sadd.s32 s3, s14  }
0xc9: {  	[tilespmem:s29], [sflag:$0x1] =	stream.linear.gather [hbm4b:s15+s1], $0x4000, $0x38;
	[tilespmem:$0x14000] =	vst v63  }
.Ltmp7:
0xca: {  	_ = 	snop;
	(pc) =	sbr.rel .LBB2_5-.Ltmp7, $4  }
0xcb: {  	s14 =	sadd.s32 s4, s14  }
0xcc: {  	[tilespmem:s30], [sflag:$0x3] =	stream.linear.gather [hbm4b:s14+s1], $0x4000, $0x38;
	[tilespmem:$0x14000] =	vst v63  }
0xcd: {  	s13 =	sadd.s32 $0x1, s13  }
0xce: {  	[hbm4b:s5+s29] =	stream.indirect.scatter [tilespmem:s8], [sflag:$0x5], $0x1, s2, s29, $0xb8;
	[tilespmem:$0x14000] =	vst v63  }
.LBB2_13:
0xcf: {  	_ =	sfence.sel $0x180000  }
0xd0: {  	[bflag:$0x0] =	sbarrier.arrive $0xFFFF  }
0xd1: {  	_ =	strace $0x90000047  }
0xd2: {  	s0 =	stileid.u32;
	[bflag:$0x2] =	sbarrier.arrive $0xFFFF  }
0xd3: {  	p0 =	sne.s32 s0, $0x0;
	s0 =	rddreg [dreg:$0x1]  }
0xd4: {  	s0 =	sadd.s32 @!p0 $0x100000, s0  }
0xd5: {  	[sflag:s0] =	ssyncadd.tile.s32 @!p0 $0x1;
	_ =	shalt  }
.Lfunc_end2:
_tile_overlayer_lowered:
.L_overlay_start_2:
0xd6: {  	(tag) =	ssettag $0x2  }
0xd7: {  	s0 =	rddreg [dreg:$0x0];
	s2 =	stileid.u32  }
0xd8: {  	s1 =	rddreg [dreg:$0x1];
	p0 =	sne.s32 s2, $0x0  }
0xd9: {  	s3 =	rddreg [dreg:$0x2];
	[bflag:$0x3] =	sbarrier.arrive $0xFFFF;
	s2 =	simm.s32 @!p0 $0x1C06  }
0xda: {  	[timem:s3], [sflag:s2] =	dma.local @!p0 [hbm:s0], s1  }
0xdb: {  	s0 =	simm.s32 @!p0 $0x6  }
0xdc: {  	_ =	swait.ge @!p0 [sflag:s0], s1  }
0xdd: {  	s1 =	ssub.s32 @!p0 $0x0, s1;
	[sflag:s0] =	ssyncset.done @!p0 $0x0  }
0xde: {  	[sflag:s0] =	ssyncadd.s32 @!p0 s1  }
0xdf: {  	[bflag:$0x3] =	sbarrier.arrive $0xFFFF  }
0xe0: {  	_ =	shalt  }

</sc_bundles>
